<compile_context>
chip_gen: v7x
topology: tpu7x:2x2x1
jax: 0.10.2.dev20260603
libtpu: 0.0.44.dev20260713+nightly
codegen_flags: <defaults>
</compile_context>

<pallas_src>
import functools

import jax
import jax.numpy as jnp
from jax import lax
from jax.experimental import pallas as pl
from jax.experimental.pallas import tpu as pltpu
from jax.experimental.pallas import tpu_sc as plsc

V = 100000
D = 64
B = 1024
C = 20

NC = 2
NS = 16
NW = NC * NS
EPW = B // NW
CPW = EPW * C
ICH = 128
NCH = CPW // ICH

VH = V // 2
TP = 1024
NPT = (VH + TP - 1) // TP
HP = NPT * TP
BT = 2 * HP // 128

_SC_PARAMS = pltpu.CompilerParams(use_tc_tiling_on_sc=True,
                                  needs_layout_passes=False)
NEG = -1e30


def _prepw_body(w_ref, o_ref):
  i = pl.program_id(0)
  nv = pl.num_programs(0)
  w = w_ref[...]

  def _mask(wv):
    row = i * TP + lax.broadcasted_iota(jnp.int32, (TP, 1), 0)
    return jnp.where(row < VH, wv, 0.0)

  w = lax.cond(i == nv - 1, _mask, lambda wv: wv, w)
  o_ref[...] = w.astype(jnp.bfloat16)


def _prep_w(out_pair):
  return pl.pallas_call(
      _prepw_body,
      grid=(NPT,),
      in_specs=[pl.BlockSpec((TP, 128), lambda i: (i, 0))],
      out_specs=pl.BlockSpec((TP, 128), lambda i: (i, 0)),
      out_shape=jax.ShapeDtypeStruct((HP, 128), jnp.bfloat16),
  )(out_pair)


def _sc_ctx_gather(ctx_prow, ctx_par, in_pair):
  mesh = plsc.VectorSubcoreMesh(core_axis_name="c", subcore_axis_name="s")

  @functools.partial(
      pl.kernel,
      out_type=jax.ShapeDtypeStruct((B, 128), jnp.float32),
      mesh=mesh,
      compiler_params=_SC_PARAMS,
      scratch_types=[
          pltpu.VMEM((CPW,), jnp.int32),
          pltpu.VMEM((CPW,), jnp.int32),
          pltpu.VMEM((CPW, 128), jnp.float32),
          pltpu.VMEM((EPW, 128), jnp.float32),
          pltpu.SemaphoreType.DMA,
      ],
  )
  def k(prow_h, par_h, pair_h, x_h, idxc, parv, rows, xout, sem):
    wid = lax.axis_index("s") * NC + lax.axis_index("c")
    eb = wid * EPW

    pltpu.sync_copy(prow_h.at[pl.ds(wid * CPW, CPW)], idxc)
    pltpu.sync_copy(par_h.at[pl.ds(wid * CPW, CPW)], parv)
    hs = [
        pltpu.async_copy(pair_h.at[idxc.at[pl.ds(j * ICH, ICH)]],
                         rows.at[pl.ds(j * ICH, ICH)], sem)
        for j in range(NCH)
    ]
    for h in hs:
      h.wait()

    one16 = jnp.where(lax.iota(jnp.int32, 16) == 0, 1.0, 0.0)
    z16 = jnp.zeros((16,), jnp.float32)

    def esum(e, carry):
      masks = []
      for c2 in range(C):
        psplat = plsc.load_gather(parv, [jnp.full((16,), e * C + c2,
                                                  jnp.int32)])
        masks.append(psplat == 1)
      accs = []
      for d in range(D // 16):
        r = e * C
        acc = jnp.where(masks[0], rows[r, pl.ds(D + d * 16, 16)],
                        rows[r, pl.ds(d * 16, 16)])
        for c2 in range(1, C):
          r = e * C + c2
          acc = acc + jnp.where(masks[c2], rows[r, pl.ds(D + d * 16, 16)],
                                rows[r, pl.ds(d * 16, 16)])
        accs.append(acc)
      for d in range(D // 16):
        xout[e, pl.ds(d * 16, 16)] = accs[d]
      xout[e, pl.ds(D, 16)] = one16
      for d in range(D // 16 + 1, 128 // 16):
        xout[e, pl.ds(d * 16, 16)] = z16
      return carry

    lax.fori_loop(0, EPW, esum, 0)
    pltpu.sync_copy(xout, x_h.at[pl.ds(eb, EPW)])

  return k(ctx_prow, ctx_par, in_pair)


def _sc_label_gather(out_pair, bias128, lab_prow, brow_ids, x_dep):
  mesh = plsc.VectorSubcoreMesh(core_axis_name="c", subcore_axis_name="s")

  @functools.partial(
      pl.kernel,
      out_type=(
          jax.ShapeDtypeStruct((B, 128), jnp.float32),
          jax.ShapeDtypeStruct((B, 128), jnp.float32),
      ),
      mesh=mesh,
      compiler_params=_SC_PARAMS,
      scratch_types=[
          pltpu.VMEM((EPW,), jnp.int32),
          pltpu.VMEM((EPW, 128), jnp.float32),
          pltpu.VMEM((EPW,), jnp.int32),
          pltpu.VMEM((EPW, 128), jnp.float32),
          pltpu.SemaphoreType.DMA,
      ],
  )
  def k(pair_h, b128_h, lab_h, rid_h, xdep_h,
        le_h, br_h, idxl, labv, ridv, brv, sem):
    wid = lax.axis_index("s") * NC + lax.axis_index("c")
    eb = wid * EPW
    pltpu.sync_copy(lab_h.at[pl.ds(eb, EPW)], idxl)
    pltpu.sync_copy(rid_h.at[pl.ds(eb, EPW)], ridv)
    h2 = pltpu.async_copy(pair_h.at[idxl], labv, sem)
    h3 = pltpu.async_copy(b128_h.at[ridv], brv, sem)
    h2.wait()
    h3.wait()
    pltpu.sync_copy(labv, le_h.at[pl.ds(eb, EPW)])
    pltpu.sync_copy(brv, br_h.at[pl.ds(eb, EPW)])

  return k(out_pair, bias128, lab_prow, brow_ids, x_dep)


def _lse_body(x_ref, w_ref, be_ref, bo_ref, o_ref, xb_ref, m_ref, s_ref):
  i = pl.program_id(0)
  nv = pl.num_programs(0)

  @pl.when(i == 0)
  def _():
    xb_ref[...] = x_ref[:, 0:D].astype(jnp.bfloat16)
    m_ref[...] = jnp.full((B, 1), NEG, jnp.float32)
    s_ref[...] = jnp.zeros((B, 1), jnp.float32)

  xb = xb_ref[...]
  te = lax.dot_general(xb, w_ref[:, 0:D], (((1,), (1,)), ((), ())),
                       preferred_element_type=jnp.float32).astype(jnp.bfloat16)
  to = lax.dot_general(xb, w_ref[:, D:2 * D], (((1,), (1,)), ((), ())),
                       preferred_element_type=jnp.float32).astype(jnp.bfloat16)
  te = te + be_ref[...]
  to = to + bo_ref[...]
  tmax = jnp.maximum(
      jnp.max(te, axis=1, keepdims=True),
      jnp.max(to, axis=1, keepdims=True)).astype(jnp.float32)
  m_old = m_ref[...]
  m_new = jnp.maximum(m_old, tmax)
  mb = m_new.astype(jnp.bfloat16)
  p = (jnp.sum(jnp.exp(te - mb).astype(jnp.float32), axis=1, keepdims=True) +
       jnp.sum(jnp.exp(to - mb).astype(jnp.float32), axis=1, keepdims=True))
  s_ref[...] = s_ref[...] * jnp.exp(m_old - m_new) + p
  m_ref[...] = m_new

  @pl.when(i == nv - 1)
  def _():
    o_ref[...] = m_ref[...] + jnp.log(s_ref[...])


def _tc_lse(x_aug, w_pair, be, bo):
  return pl.pallas_call(
      _lse_body,
      grid=(NPT,),
      in_specs=[
          pl.BlockSpec((B, 128), lambda i: (0, 0)),
          pl.BlockSpec((TP, 128), lambda i: (i, 0)),
          pl.BlockSpec((1, TP), lambda i: (0, i)),
          pl.BlockSpec((1, TP), lambda i: (0, i)),
      ],
      out_specs=pl.BlockSpec((B, 1), lambda i: (0, 0)),
      out_shape=jax.ShapeDtypeStruct((B, 1), jnp.float32),
      scratch_shapes=[
          pltpu.VMEM((B, D), jnp.bfloat16),
          pltpu.VMEM((B, 1), jnp.float32),
          pltpu.VMEM((B, 1), jnp.float32),
      ],
  )(x_aug, w_pair, be, bo)


def _final_body(lse_ref, x_ref, le_ref, br_ref, ph_ref, bl_ref, o_ref):
  xa = x_ref[:, 0:D]
  sel_hi = ph_ref[...] == 1
  lv = jnp.where(sel_hi, le_ref[:, D:2 * D], le_ref[:, 0:D])
  lab_logit = jnp.sum(xa * lv, axis=1, keepdims=True)
  lsel = lax.broadcasted_iota(jnp.int32, (B, 128), 1) == bl_ref[...]
  lbias = jnp.sum(jnp.where(lsel, br_ref[...], 0.0), axis=1, keepdims=True)
  o_ref[...] = lse_ref[...] - lab_logit - lbias


def _tc_final(lse, x_aug, labv, brv, phalf2, blane2):
  return pl.pallas_call(
      _final_body,
      out_shape=jax.ShapeDtypeStruct((B, 1), jnp.float32),
  )(lse, x_aug, labv, brv, phalf2, blane2)


def kernel(input_word_ids, output_word_ids, input_layer_embeddings,
           output_layer_embeddings, output_layer_bias):
  ctx = input_word_ids.reshape(B * C)
  ctx_prow = lax.shift_right_logical(ctx, 1)
  ctx_par = lax.bitwise_and(ctx, 1)
  lab_prow = lax.shift_right_logical(output_word_ids, 1)
  lab_phalf = lax.bitwise_and(output_word_ids, 1)
  brow_ids = lax.shift_right_logical(output_word_ids, 7)
  blane = lax.bitwise_and(output_word_ids, 127)

  in_pair = input_layer_embeddings.reshape(VH, 128)
  out_pair = output_layer_embeddings.reshape(VH, 128)
  bias128 = jnp.pad(output_layer_bias, (0, 2 * HP - V)).reshape(BT, 128)
  be = jnp.pad(output_layer_bias[0::2], (0, HP - VH),
               constant_values=NEG).reshape(1, HP).astype(jnp.bfloat16)
  bo = jnp.pad(output_layer_bias[1::2], (0, HP - VH),
               constant_values=NEG).reshape(1, HP).astype(jnp.bfloat16)

  w_pair = _prep_w(out_pair)
  x_aug = _sc_ctx_gather(ctx_prow, ctx_par, in_pair)
  labv, brv = _sc_label_gather(out_pair, bias128, lab_prow, brow_ids, x_aug)

  lse = _tc_lse(x_aug, w_pair, be, bo)
  loss = _tc_final(lse, x_aug, labv, brv,
                   lab_phalf.reshape(B, 1), blane.reshape(B, 1))
  return loss.reshape(B)

# --- scband reference (transcript-rebuilt; emitter-appended) ---
"""Pipeline reference for scband-word2-vec-model-41068477284367 (READ-ONLY COPY).

The authoritative reference and input builder live on the scoring server;
editing this copy changes nothing except your own understanding.
"""

import jax, jax.numpy as jnp
import numpy as np

VOCAB = 100000
EMBED = 64
BATCH = 1024
CTX = 20

def setup_inputs(seed: int = 0) -> dict:
    key = jax.random.key(seed)
    k1, k2, k3, k4, k5 = jax.random.split(key, 5)
    input_word_ids = jax.random.randint(k1, (BATCH, CTX), 0, VOCAB, dtype=jnp.int64 if jax.config.jax_enable_x64 else jnp.int32).astype(jnp.int32)
    output_word_ids = jax.random.randint(k2, (BATCH,), 0, VOCAB, dtype=jnp.int64 if jax.config.jax_enable_x64 else jnp.int32).astype(jnp.int32)
    input_layer_embeddings = jax.random.normal(k3, (VOCAB, EMBED), dtype=jnp.float32) * 0.02
    output_layer_embeddings = jax.random.normal(k4, (VOCAB, EMBED), dtype=jnp.float32) * 0.02
    output_layer_bias = jax.random.normal(k5, (VOCAB,), dtype=jnp.float32) * 0.02
    return {
        'input_word_ids': input_word_ids,
        'output_word_ids': output_word_ids,
        'input_layer_embeddings': input_layer_embeddings,
        'output_layer_embeddings': output_layer_embeddings,
        'output_layer_bias': output_layer_bias,
    }

def reference(input_word_ids, output_word_ids, input_layer_embeddings, output_layer_embeddings, output_layer_bias):
    # tf.nn.embedding_lookup over the (hashed) context word ids -> [B, CTX, D]
    inp_emb = jnp.take(input_layer_embeddings, input_word_ids, axis=0)
    # reduce_sum over the context window axis -> [B, D]
    inp_emb = jnp.sum(inp_emb, axis=1)
    # eval path: full-vocab logits = matmul(inp, W_out^T) + bias
    logits = jnp.matmul(inp_emb, output_layer_embeddings.T) + output_layer_bias
    # labels one-hot, softmax cross entropy per example -> [B]
    labels = jax.nn.one_hot(output_word_ids, num_classes=VOCAB, dtype=logits.dtype)
    log_probs = jax.nn.log_softmax(logits, axis=-1)
    loss = -jnp.sum(labels * log_probs, axis=-1)
    return loss

if __name__ == "__main__":
    import jax
    _d = setup_inputs()
    print(jax.jit(kernel)(*tuple(_d.values())))

</pallas_src>

<mosaic_0001>
#map = affine_map<(d0, d1) -> (0, 0)>
#map1 = affine_map<(d0, d1) -> (0)>
module attributes {stable_mosaic.version = 14 : i64} {
  func.func @k(%arg0: i32, %arg1: i32, %arg2: memref<50000x128xf32, #tpu.memory_space<hbm>>, %arg3: memref<784x128xf32, #tpu.memory_space<hbm>>, %arg4: memref<1024xi32, #tpu.memory_space<hbm>>, %arg5: memref<1024xi32, #tpu.memory_space<hbm>>, %arg6: memref<1024x128xf32, #tpu.memory_space<hbm>>, %arg7: memref<1024x128xf32, #tpu.memory_space<hbm>>, %arg8: memref<1024x128xf32, #tpu.memory_space<hbm>>, %arg9: memref<32xi32, #tpu.memory_space<vmem>>, %arg10: memref<32x128xf32, #tpu.memory_space<vmem>>, %arg11: memref<32xi32, #tpu.memory_space<vmem>>, %arg12: memref<32x128xf32, #tpu.memory_space<vmem>>, %arg13: memref<!tpu.dma_semaphore, #tpu.memory_space<semaphore_mem>>) attributes {dimension_semantics = [#tpu.dimension_semantics<core_parallel>, #tpu.dimension_semantics<subcore_parallel>], iteration_bounds = array<i64: 2, 16>, scalar_prefetch = 0 : i64, scratch_operands = 5 : i64, tpu.core_type = #tpu.core_type<sc_vector_subcore>, window_params = [{transform_indices = #map}, {transform_indices = #map}, {transform_indices = #map1}, {transform_indices = #map1}, {transform_indices = #map}, {transform_indices = #map}, {transform_indices = #map}]} {
    %mul3A = arith.constant 2 : i32
    %mul3A_0 = arith.muli %arg1, %mul3A : i32
    %add3A = arith.addi %mul3A_0, %arg0 : i32
    %mul3A_1 = arith.constant 32 : i32
    %mul3A_2 = arith.muli %add3A, %mul3A_1 : i32
    "tpu.region"() ({
      %run_scoped3A = tpu.sem_alloc : memref<!tpu.dma_semaphore, #tpu.memory_space<semaphore_mem>>
      %dma_start3A_13 = tpu.memref_slice %arg4[%mul3A_2] : memref<1024xi32, #tpu.memory_space<hbm>> -> memref<32xi32, #tpu.memory_space<hbm>>
      %dma_start3A_14 = tpu.memref_slice %arg4[%mul3A_2] : memref<1024xi32, #tpu.memory_space<hbm>> -> memref<32xi32, #tpu.memory_space<hbm>>
      tpu.enqueue_dma source(%dma_start3A_14 : memref<32xi32, #tpu.memory_space<hbm>>) target(%arg9 : memref<32xi32, #tpu.memory_space<vmem>>) target_semaphore(%run_scoped3A : memref<!tpu.dma_semaphore, #tpu.memory_space<semaphore_mem>>)
      %dma_wait3A_15 = tpu.memref_slice %arg4[%mul3A_2] : memref<1024xi32, #tpu.memory_space<hbm>> -> memref<32xi32, #tpu.memory_space<hbm>>
      %dma_wait3A_16 = tpu.memref_slice %arg4[%mul3A_2] : memref<1024xi32, #tpu.memory_space<hbm>> -> memref<32xi32, #tpu.memory_space<hbm>>
      tpu.wait_dma2 semaphore(%run_scoped3A : memref<!tpu.dma_semaphore, #tpu.memory_space<semaphore_mem>>) src(%dma_wait3A_16 : memref<32xi32, #tpu.memory_space<hbm>>) dst(%arg9 : memref<32xi32, #tpu.memory_space<vmem>>)
      tpu.yield
    }) : () -> ()
    "tpu.region"() ({
      %run_scoped3A = tpu.sem_alloc : memref<!tpu.dma_semaphore, #tpu.memory_space<semaphore_mem>>
      %dma_start3A_13 = tpu.memref_slice %arg5[%mul3A_2] : memref<1024xi32, #tpu.memory_space<hbm>> -> memref<32xi32, #tpu.memory_space<hbm>>
      %dma_start3A_14 = tpu.memref_slice %arg5[%mul3A_2] : memref<1024xi32, #tpu.memory_space<hbm>> -> memref<32xi32, #tpu.memory_space<hbm>>
      tpu.enqueue_dma source(%dma_start3A_14 : memref<32xi32, #tpu.memory_space<hbm>>) target(%arg11 : memref<32xi32, #tpu.memory_space<vmem>>) target_semaphore(%run_scoped3A : memref<!tpu.dma_semaphore, #tpu.memory_space<semaphore_mem>>)
      %dma_wait3A_15 = tpu.memref_slice %arg5[%mul3A_2] : memref<1024xi32, #tpu.memory_space<hbm>> -> memref<32xi32, #tpu.memory_space<hbm>>
      %dma_wait3A_16 = tpu.memref_slice %arg5[%mul3A_2] : memref<1024xi32, #tpu.memory_space<hbm>> -> memref<32xi32, #tpu.memory_space<hbm>>
      tpu.wait_dma2 semaphore(%run_scoped3A : memref<!tpu.dma_semaphore, #tpu.memory_space<semaphore_mem>>) src(%dma_wait3A_16 : memref<32xi32, #tpu.memory_space<hbm>>) dst(%arg11 : memref<32xi32, #tpu.memory_space<vmem>>)
      tpu.yield
    }) : () -> ()
    %dma_start3A = arith.constant 0 : i32
    %dma_start3A_3 = arith.constant 0 : i32
    %dma_start3A_4 = tpu.memref_slice %arg2[%dma_start3A, %dma_start3A_3] : memref<50000x128xf32, #tpu.memory_space<hbm>> -> memref<50000x128xf32, #tpu.memory_space<hbm>>
    tpu.enqueue_indirect_dma source(%dma_start3A_4 : memref<50000x128xf32, #tpu.memory_space<hbm>>) target(%arg10 : memref<32x128xf32, #tpu.memory_space<vmem>>) offsets(%arg9 : memref<32xi32, #tpu.memory_space<vmem>>) semaphore(%arg13 : memref<!tpu.dma_semaphore, #tpu.memory_space<semaphore_mem>>)
    %dma_start3A_5 = arith.constant 0 : i32
    %dma_start3A_6 = arith.constant 0 : i32
    %dma_start3A_7 = tpu.memref_slice %arg3[%dma_start3A_5, %dma_start3A_6] : memref<784x128xf32, #tpu.memory_space<hbm>> -> memref<784x128xf32, #tpu.memory_space<hbm>>
    tpu.enqueue_indirect_dma source(%dma_start3A_7 : memref<784x128xf32, #tpu.memory_space<hbm>>) target(%arg12 : memref<32x128xf32, #tpu.memory_space<vmem>>) offsets(%arg11 : memref<32xi32, #tpu.memory_space<vmem>>) semaphore(%arg13 : memref<!tpu.dma_semaphore, #tpu.memory_space<semaphore_mem>>)
    %dma_wait3A = arith.constant 0 : i32
    %dma_wait3A_8 = arith.constant 0 : i32
    %dma_wait3A_9 = tpu.memref_slice %arg2[%dma_wait3A, %dma_wait3A_8] : memref<50000x128xf32, #tpu.memory_space<hbm>> -> memref<50000x128xf32, #tpu.memory_space<hbm>>
    tpu.wait_indirect_dma semaphore(%arg13 : memref<!tpu.dma_semaphore, #tpu.memory_space<semaphore_mem>>) src(%dma_wait3A_9 : memref<50000x128xf32, #tpu.memory_space<hbm>>) dst(%arg10 : memref<32x128xf32, #tpu.memory_space<vmem>>)
    %dma_wait3A_10 = arith.constant 0 : i32
    %dma_wait3A_11 = arith.constant 0 : i32
    %dma_wait3A_12 = tpu.memref_slice %arg3[%dma_wait3A_10, %dma_wait3A_11] : memref<784x128xf32, #tpu.memory_space<hbm>> -> memref<784x128xf32, #tpu.memory_space<hbm>>
    tpu.wait_indirect_dma semaphore(%arg13 : memref<!tpu.dma_semaphore, #tpu.memory_space<semaphore_mem>>) src(%dma_wait3A_12 : memref<784x128xf32, #tpu.memory_space<hbm>>) dst(%arg12 : memref<32x128xf32, #tpu.memory_space<vmem>>)
    "tpu.region"() ({
      %run_scoped3A = tpu.sem_alloc : memref<!tpu.dma_semaphore, #tpu.memory_space<semaphore_mem>>
      %dma_start3A_13 = arith.constant 0 : i32
      %dma_start3A_14 = tpu.memref_slice %arg7[%mul3A_2, %dma_start3A_13] : memref<1024x128xf32, #tpu.memory_space<hbm>> -> memref<32x128xf32, #tpu.memory_space<hbm>>
      %dma_start3A_15 = arith.constant 0 : i32
      %dma_start3A_16 = tpu.memref_slice %arg7[%mul3A_2, %dma_start3A_15] : memref<1024x128xf32, #tpu.memory_space<hbm>> -> memref<32x128xf32, #tpu.memory_space<hbm>>
      tpu.enqueue_dma source(%arg10 : memref<32x128xf32, #tpu.memory_space<vmem>>) target(%dma_start3A_16 : memref<32x128xf32, #tpu.memory_space<hbm>>) target_semaphore(%run_scoped3A : memref<!tpu.dma_semaphore, #tpu.memory_space<semaphore_mem>>)
      %dma_wait3A_17 = arith.constant 0 : i32
      %dma_wait3A_18 = tpu.memref_slice %arg7[%mul3A_2, %dma_wait3A_17] : memref<1024x128xf32, #tpu.memory_space<hbm>> -> memref<32x128xf32, #tpu.memory_space<hbm>>
      %dma_wait3A_19 = arith.constant 0 : i32
      %dma_wait3A_20 = tpu.memref_slice %arg7[%mul3A_2, %dma_wait3A_19] : memref<1024x128xf32, #tpu.memory_space<hbm>> -> memref<32x128xf32, #tpu.memory_space<hbm>>
      tpu.wait_dma2 semaphore(%run_scoped3A : memref<!tpu.dma_semaphore, #tpu.memory_space<semaphore_mem>>) src(%arg10 : memref<32x128xf32, #tpu.memory_space<vmem>>) dst(%dma_wait3A_20 : memref<32x128xf32, #tpu.memory_space<hbm>>)
      tpu.yield
    }) : () -> ()
    "tpu.region"() ({
      %run_scoped3A = tpu.sem_alloc : memref<!tpu.dma_semaphore, #tpu.memory_space<semaphore_mem>>
      %dma_start3A_13 = arith.constant 0 : i32
      %dma_start3A_14 = tpu.memref_slice %arg8[%mul3A_2, %dma_start3A_13] : memref<1024x128xf32, #tpu.memory_space<hbm>> -> memref<32x128xf32, #tpu.memory_space<hbm>>
      %dma_start3A_15 = arith.constant 0 : i32
      %dma_start3A_16 = tpu.memref_slice %arg8[%mul3A_2, %dma_start3A_15] : memref<1024x128xf32, #tpu.memory_space<hbm>> -> memref<32x128xf32, #tpu.memory_space<hbm>>
      tpu.enqueue_dma source(%arg12 : memref<32x128xf32, #tpu.memory_space<vmem>>) target(%dma_start3A_16 : memref<32x128xf32, #tpu.memory_space<hbm>>) target_semaphore(%run_scoped3A : memref<!tpu.dma_semaphore, #tpu.memory_space<semaphore_mem>>)
      %dma_wait3A_17 = arith.constant 0 : i32
      %dma_wait3A_18 = tpu.memref_slice %arg8[%mul3A_2, %dma_wait3A_17] : memref<1024x128xf32, #tpu.memory_space<hbm>> -> memref<32x128xf32, #tpu.memory_space<hbm>>
      %dma_wait3A_19 = arith.constant 0 : i32
      %dma_wait3A_20 = tpu.memref_slice %arg8[%mul3A_2, %dma_wait3A_19] : memref<1024x128xf32, #tpu.memory_space<hbm>> -> memref<32x128xf32, #tpu.memory_space<hbm>>
      tpu.wait_dma2 semaphore(%run_scoped3A : memref<!tpu.dma_semaphore, #tpu.memory_space<semaphore_mem>>) src(%arg12 : memref<32x128xf32, #tpu.memory_space<vmem>>) dst(%dma_wait3A_20 : memref<32x128xf32, #tpu.memory_space<hbm>>)
      tpu.yield
    }) : () -> ()
    return
  }
}

#map = affine_map<(d0, d1) -> (0)>
#map1 = affine_map<(d0, d1) -> (0, 0)>
module attributes {stable_mosaic.version = 14 : i64} {
  func.func @k(%arg0: i32, %arg1: i32, %arg2: memref<20480xi32, #tpu.memory_space<hbm>>, %arg3: memref<20480xi32, #tpu.memory_space<hbm>>, %arg4: memref<50000x128xf32, #tpu.memory_space<hbm>>, %arg5: memref<1024x128xf32, #tpu.memory_space<hbm>>, %arg6: memref<640xi32, #tpu.memory_space<vmem>>, %arg7: memref<640xi32, #tpu.memory_space<vmem>>, %arg8: memref<640x128xf32, #tpu.memory_space<vmem>>, %arg9: memref<32x128xf32, #tpu.memory_space<vmem>>, %arg10: memref<!tpu.dma_semaphore, #tpu.memory_space<semaphore_mem>>) attributes {dimension_semantics = [#tpu.dimension_semantics<core_parallel>, #tpu.dimension_semantics<subcore_parallel>], iteration_bounds = array<i64: 2, 16>, scalar_prefetch = 0 : i64, scratch_operands = 5 : i64, tpu.core_type = #tpu.core_type<sc_vector_subcore>, window_params = [{transform_indices = #map}, {transform_indices = #map}, {transform_indices = #map1}, {transform_indices = #map1}]} {
    %mul3A = arith.constant 2 : i32
    %mul3A_0 = arith.muli %arg1, %mul3A : i32
    %add3A = arith.addi %mul3A_0, %arg0 : i32
    %mul3A_1 = arith.constant 32 : i32
    %mul3A_2 = arith.muli %add3A, %mul3A_1 : i32
    %mul3A_3 = arith.constant 640 : i32
    %mul3A_4 = arith.muli %add3A, %mul3A_3 : i32
    "tpu.region"() ({
      %run_scoped3A = tpu.sem_alloc : memref<!tpu.dma_semaphore, #tpu.memory_space<semaphore_mem>>
      %dma_start3A_96 = tpu.memref_slice %arg2[%mul3A_4] : memref<20480xi32, #tpu.memory_space<hbm>> -> memref<640xi32, #tpu.memory_space<hbm>>
      %dma_start3A_97 = tpu.memref_slice %arg2[%mul3A_4] : memref<20480xi32, #tpu.memory_space<hbm>> -> memref<640xi32, #tpu.memory_space<hbm>>
      tpu.enqueue_dma source(%dma_start3A_97 : memref<640xi32, #tpu.memory_space<hbm>>) target(%arg6 : memref<640xi32, #tpu.memory_space<vmem>>) target_semaphore(%run_scoped3A : memref<!tpu.dma_semaphore, #tpu.memory_space<semaphore_mem>>)
      %dma_wait3A_98 = tpu.memref_slice %arg2[%mul3A_4] : memref<20480xi32, #tpu.memory_space<hbm>> -> memref<640xi32, #tpu.memory_space<hbm>>
      %dma_wait3A_99 = tpu.memref_slice %arg2[%mul3A_4] : memref<20480xi32, #tpu.memory_space<hbm>> -> memref<640xi32, #tpu.memory_space<hbm>>
      tpu.wait_dma2 semaphore(%run_scoped3A : memref<!tpu.dma_semaphore, #tpu.memory_space<semaphore_mem>>) src(%dma_wait3A_99 : memref<640xi32, #tpu.memory_space<hbm>>) dst(%arg6 : memref<640xi32, #tpu.memory_space<vmem>>)
      tpu.yield
    }) : () -> ()
    %mul3A_5 = arith.constant 640 : i32
    %mul3A_6 = arith.muli %add3A, %mul3A_5 : i32
    "tpu.region"() ({
      %run_scoped3A = tpu.sem_alloc : memref<!tpu.dma_semaphore, #tpu.memory_space<semaphore_mem>>
      %dma_start3A_96 = tpu.memref_slice %arg3[%mul3A_6] : memref<20480xi32, #tpu.memory_space<hbm>> -> memref<640xi32, #tpu.memory_space<hbm>>
      %dma_start3A_97 = tpu.memref_slice %arg3[%mul3A_6] : memref<20480xi32, #tpu.memory_space<hbm>> -> memref<640xi32, #tpu.memory_space<hbm>>
      tpu.enqueue_dma source(%dma_start3A_97 : memref<640xi32, #tpu.memory_space<hbm>>) target(%arg7 : memref<640xi32, #tpu.memory_space<vmem>>) target_semaphore(%run_scoped3A : memref<!tpu.dma_semaphore, #tpu.memory_space<semaphore_mem>>)
      %dma_wait3A_98 = tpu.memref_slice %arg3[%mul3A_6] : memref<20480xi32, #tpu.memory_space<hbm>> -> memref<640xi32, #tpu.memory_space<hbm>>
      %dma_wait3A_99 = tpu.memref_slice %arg3[%mul3A_6] : memref<20480xi32, #tpu.memory_space<hbm>> -> memref<640xi32, #tpu.memory_space<hbm>>
      tpu.wait_dma2 semaphore(%run_scoped3A : memref<!tpu.dma_semaphore, #tpu.memory_space<semaphore_mem>>) src(%dma_wait3A_99 : memref<640xi32, #tpu.memory_space<hbm>>) dst(%arg7 : memref<640xi32, #tpu.memory_space<vmem>>)
      tpu.yield
    }) : () -> ()
    %dma_start3A = arith.constant 0 : i32
    %dma_start3A_7 = arith.constant 0 : i32
    %dma_start3A_8 = tpu.memref_slice %arg8[%dma_start3A, %dma_start3A_7] : memref<640x128xf32, #tpu.memory_space<vmem>> -> memref<128x128xf32, #tpu.memory_space<vmem>>
    %dma_start3A_9 = arith.constant 0 : i32
    %dma_start3A_10 = tpu.memref_slice %arg6[%dma_start3A_9] : memref<640xi32, #tpu.memory_space<vmem>> -> memref<128xi32, #tpu.memory_space<vmem>>
    %dma_start3A_11 = arith.constant 0 : i32
    %dma_start3A_12 = arith.constant 0 : i32
    %dma_start3A_13 = tpu.memref_slice %arg4[%dma_start3A_11, %dma_start3A_12] : memref<50000x128xf32, #tpu.memory_space<hbm>> -> memref<50000x128xf32, #tpu.memory_space<hbm>>
    tpu.enqueue_indirect_dma source(%dma_start3A_13 : memref<50000x128xf32, #tpu.memory_space<hbm>>) target(%dma_start3A_8 : memref<128x128xf32, #tpu.memory_space<vmem>>) offsets(%dma_start3A_10 : memref<128xi32, #tpu.memory_space<vmem>>) semaphore(%arg10 : memref<!tpu.dma_semaphore, #tpu.memory_space<semaphore_mem>>)
    %dma_start3A_14 = arith.constant 128 : i32
    %dma_start3A_15 = arith.constant 0 : i32
    %dma_start3A_16 = tpu.memref_slice %arg8[%dma_start3A_14, %dma_start3A_15] : memref<640x128xf32, #tpu.memory_space<vmem>> -> memref<128x128xf32, #tpu.memory_space<vmem>>
    %dma_start3A_17 = arith.constant 128 : i32
    %dma_start3A_18 = tpu.memref_slice %arg6[%dma_start3A_17] : memref<640xi32, #tpu.memory_space<vmem>> -> memref<128xi32, #tpu.memory_space<vmem>>
    %dma_start3A_19 = arith.constant 0 : i32
    %dma_start3A_20 = arith.constant 0 : i32
    %dma_start3A_21 = tpu.memref_slice %arg4[%dma_start3A_19, %dma_start3A_20] : memref<50000x128xf32, #tpu.memory_space<hbm>> -> memref<50000x128xf32, #tpu.memory_space<hbm>>
    tpu.enqueue_indirect_dma source(%dma_start3A_21 : memref<50000x128xf32, #tpu.memory_space<hbm>>) target(%dma_start3A_16 : memref<128x128xf32, #tpu.memory_space<vmem>>) offsets(%dma_start3A_18 : memref<128xi32, #tpu.memory_space<vmem>>) semaphore(%arg10 : memref<!tpu.dma_semaphore, #tpu.memory_space<semaphore_mem>>)
    %dma_start3A_22 = arith.constant 256 : i32
    %dma_start3A_23 = arith.constant 0 : i32
    %dma_start3A_24 = tpu.memref_slice %arg8[%dma_start3A_22, %dma_start3A_23] : memref<640x128xf32, #tpu.memory_space<vmem>> -> memref<128x128xf32, #tpu.memory_space<vmem>>
    %dma_start3A_25 = arith.constant 256 : i32
    %dma_start3A_26 = tpu.memref_slice %arg6[%dma_start3A_25] : memref<640xi32, #tpu.memory_space<vmem>> -> memref<128xi32, #tpu.memory_space<vmem>>
    %dma_start3A_27 = arith.constant 0 : i32
    %dma_start3A_28 = arith.constant 0 : i32
    %dma_start3A_29 = tpu.memref_slice %arg4[%dma_start3A_27, %dma_start3A_28] : memref<50000x128xf32, #tpu.memory_space<hbm>> -> memref<50000x128xf32, #tpu.memory_space<hbm>>
    tpu.enqueue_indirect_dma source(%dma_start3A_29 : memref<50000x128xf32, #tpu.memory_space<hbm>>) target(%dma_start3A_24 : memref<128x128xf32, #tpu.memory_space<vmem>>) offsets(%dma_start3A_26 : memref<128xi32, #tpu.memory_space<vmem>>) semaphore(%arg10 : memref<!tpu.dma_semaphore, #tpu.memory_space<semaphore_mem>>)
    %dma_start3A_30 = arith.constant 384 : i32
    %dma_start3A_31 = arith.constant 0 : i32
    %dma_start3A_32 = tpu.memref_slice %arg8[%dma_start3A_30, %dma_start3A_31] : memref<640x128xf32, #tpu.memory_space<vmem>> -> memref<128x128xf32, #tpu.memory_space<vmem>>
    %dma_start3A_33 = arith.constant 384 : i32
    %dma_start3A_34 = tpu.memref_slice %arg6[%dma_start3A_33] : memref<640xi32, #tpu.memory_space<vmem>> -> memref<128xi32, #tpu.memory_space<vmem>>
    %dma_start3A_35 = arith.constant 0 : i32
    %dma_start3A_36 = arith.constant 0 : i32
    %dma_start3A_37 = tpu.memref_slice %arg4[%dma_start3A_35, %dma_start3A_36] : memref<50000x128xf32, #tpu.memory_space<hbm>> -> memref<50000x128xf32, #tpu.memory_space<hbm>>
    tpu.enqueue_indirect_dma source(%dma_start3A_37 : memref<50000x128xf32, #tpu.memory_space<hbm>>) target(%dma_start3A_32 : memref<128x128xf32, #tpu.memory_space<vmem>>) offsets(%dma_start3A_34 : memref<128xi32, #tpu.memory_space<vmem>>) semaphore(%arg10 : memref<!tpu.dma_semaphore, #tpu.memory_space<semaphore_mem>>)
    %dma_start3A_38 = arith.constant 512 : i32
    %dma_start3A_39 = arith.constant 0 : i32
    %dma_start3A_40 = tpu.memref_slice %arg8[%dma_start3A_38, %dma_start3A_39] : memref<640x128xf32, #tpu.memory_space<vmem>> -> memref<128x128xf32, #tpu.memory_space<vmem>>
    %dma_start3A_41 = arith.constant 512 : i32
    %dma_start3A_42 = tpu.memref_slice %arg6[%dma_start3A_41] : memref<640xi32, #tpu.memory_space<vmem>> -> memref<128xi32, #tpu.memory_space<vmem>>
    %dma_start3A_43 = arith.constant 0 : i32
    %dma_start3A_44 = arith.constant 0 : i32
    %dma_start3A_45 = tpu.memref_slice %arg4[%dma_start3A_43, %dma_start3A_44] : memref<50000x128xf32, #tpu.memory_space<hbm>> -> memref<50000x128xf32, #tpu.memory_space<hbm>>
    tpu.enqueue_indirect_dma source(%dma_start3A_45 : memref<50000x128xf32, #tpu.memory_space<hbm>>) target(%dma_start3A_40 : memref<128x128xf32, #tpu.memory_space<vmem>>) offsets(%dma_start3A_42 : memref<128xi32, #tpu.memory_space<vmem>>) semaphore(%arg10 : memref<!tpu.dma_semaphore, #tpu.memory_space<semaphore_mem>>)
    %dma_wait3A = arith.constant 0 : i32
    %dma_wait3A_46 = arith.constant 0 : i32
    %dma_wait3A_47 = tpu.memref_slice %arg8[%dma_wait3A, %dma_wait3A_46] : memref<640x128xf32, #tpu.memory_space<vmem>> -> memref<128x128xf32, #tpu.memory_space<vmem>>
    %dma_wait3A_48 = arith.constant 0 : i32
    %dma_wait3A_49 = tpu.memref_slice %arg6[%dma_wait3A_48] : memref<640xi32, #tpu.memory_space<vmem>> -> memref<128xi32, #tpu.memory_space<vmem>>
    %dma_wait3A_50 = arith.constant 0 : i32
    %dma_wait3A_51 = arith.constant 0 : i32
    %dma_wait3A_52 = tpu.memref_slice %arg4[%dma_wait3A_50, %dma_wait3A_51] : memref<50000x128xf32, #tpu.memory_space<hbm>> -> memref<50000x128xf32, #tpu.memory_space<hbm>>
    tpu.wait_indirect_dma semaphore(%arg10 : memref<!tpu.dma_semaphore, #tpu.memory_space<semaphore_mem>>) src(%dma_wait3A_52 : memref<50000x128xf32, #tpu.memory_space<hbm>>) dst(%dma_wait3A_47 : memref<128x128xf32, #tpu.memory_space<vmem>>)
    %dma_wait3A_53 = arith.constant 128 : i32
    %dma_wait3A_54 = arith.constant 0 : i32
    %dma_wait3A_55 = tpu.memref_slice %arg8[%dma_wait3A_53, %dma_wait3A_54] : memref<640x128xf32, #tpu.memory_space<vmem>> -> memref<128x128xf32, #tpu.memory_space<vmem>>
    %dma_wait3A_56 = arith.constant 128 : i32
    %dma_wait3A_57 = tpu.memref_slice %arg6[%dma_wait3A_56] : memref<640xi32, #tpu.memory_space<vmem>> -> memref<128xi32, #tpu.memory_space<vmem>>
    %dma_wait3A_58 = arith.constant 0 : i32
    %dma_wait3A_59 = arith.constant 0 : i32
    %dma_wait3A_60 = tpu.memref_slice %arg4[%dma_wait3A_58, %dma_wait3A_59] : memref<50000x128xf32, #tpu.memory_space<hbm>> -> memref<50000x128xf32, #tpu.memory_space<hbm>>
    tpu.wait_indirect_dma semaphore(%arg10 : memref<!tpu.dma_semaphore, #tpu.memory_space<semaphore_mem>>) src(%dma_wait3A_60 : memref<50000x128xf32, #tpu.memory_space<hbm>>) dst(%dma_wait3A_55 : memref<128x128xf32, #tpu.memory_space<vmem>>)
    %dma_wait3A_61 = arith.constant 256 : i32
    %dma_wait3A_62 = arith.constant 0 : i32
    %dma_wait3A_63 = tpu.memref_slice %arg8[%dma_wait3A_61, %dma_wait3A_62] : memref<640x128xf32, #tpu.memory_space<vmem>> -> memref<128x128xf32, #tpu.memory_space<vmem>>
    %dma_wait3A_64 = arith.constant 256 : i32
    %dma_wait3A_65 = tpu.memref_slice %arg6[%dma_wait3A_64] : memref<640xi32, #tpu.memory_space<vmem>> -> memref<128xi32, #tpu.memory_space<vmem>>
    %dma_wait3A_66 = arith.constant 0 : i32
    %dma_wait3A_67 = arith.constant 0 : i32
    %dma_wait3A_68 = tpu.memref_slice %arg4[%dma_wait3A_66, %dma_wait3A_67] : memref<50000x128xf32, #tpu.memory_space<hbm>> -> memref<50000x128xf32, #tpu.memory_space<hbm>>
    tpu.wait_indirect_dma semaphore(%arg10 : memref<!tpu.dma_semaphore, #tpu.memory_space<semaphore_mem>>) src(%dma_wait3A_68 : memref<50000x128xf32, #tpu.memory_space<hbm>>) dst(%dma_wait3A_63 : memref<128x128xf32, #tpu.memory_space<vmem>>)
    %dma_wait3A_69 = arith.constant 384 : i32
    %dma_wait3A_70 = arith.constant 0 : i32
    %dma_wait3A_71 = tpu.memref_slice %arg8[%dma_wait3A_69, %dma_wait3A_70] : memref<640x128xf32, #tpu.memory_space<vmem>> -> memref<128x128xf32, #tpu.memory_space<vmem>>
    %dma_wait3A_72 = arith.constant 384 : i32
    %dma_wait3A_73 = tpu.memref_slice %arg6[%dma_wait3A_72] : memref<640xi32, #tpu.memory_space<vmem>> -> memref<128xi32, #tpu.memory_space<vmem>>
    %dma_wait3A_74 = arith.constant 0 : i32
    %dma_wait3A_75 = arith.constant 0 : i32
    %dma_wait3A_76 = tpu.memref_slice %arg4[%dma_wait3A_74, %dma_wait3A_75] : memref<50000x128xf32, #tpu.memory_space<hbm>> -> memref<50000x128xf32, #tpu.memory_space<hbm>>
    tpu.wait_indirect_dma semaphore(%arg10 : memref<!tpu.dma_semaphore, #tpu.memory_space<semaphore_mem>>) src(%dma_wait3A_76 : memref<50000x128xf32, #tpu.memory_space<hbm>>) dst(%dma_wait3A_71 : memref<128x128xf32, #tpu.memory_space<vmem>>)
    %dma_wait3A_77 = arith.constant 512 : i32
    %dma_wait3A_78 = arith.constant 0 : i32
    %dma_wait3A_79 = tpu.memref_slice %arg8[%dma_wait3A_77, %dma_wait3A_78] : memref<640x128xf32, #tpu.memory_space<vmem>> -> memref<128x128xf32, #tpu.memory_space<vmem>>
    %dma_wait3A_80 = arith.constant 512 : i32
    %dma_wait3A_81 = tpu.memref_slice %arg6[%dma_wait3A_80] : memref<640xi32, #tpu.memory_space<vmem>> -> memref<128xi32, #tpu.memory_space<vmem>>
    %dma_wait3A_82 = arith.constant 0 : i32
    %dma_wait3A_83 = arith.constant 0 : i32
    %dma_wait3A_84 = tpu.memref_slice %arg4[%dma_wait3A_82, %dma_wait3A_83] : memref<50000x128xf32, #tpu.memory_space<hbm>> -> memref<50000x128xf32, #tpu.memory_space<hbm>>
    tpu.wait_indirect_dma semaphore(%arg10 : memref<!tpu.dma_semaphore, #tpu.memory_space<semaphore_mem>>) src(%dma_wait3A_84 : memref<50000x128xf32, #tpu.memory_space<hbm>>) dst(%dma_wait3A_79 : memref<128x128xf32, #tpu.memory_space<vmem>>)
    %iota3A = tpu.iota {dimensions = array<i32: 0>} : vector<16xi32>
    %eq3A = arith.constant 0 : i32
    %eq3A_85 = vector.broadcast %eq3A : i32 to vector<16xi32>
    %eq3A_86 = arith.cmpi eq, %iota3A, %eq3A_85 : vector<16xi32>
    %jit3A = arith.constant 1.000000e+00 : f32
    %jit3A_87 = arith.constant 0.000000e+00 : f32
    %broadcast_in_dim3A = vector.broadcast %jit3A : f32 to vector<16xf32>
    %broadcast_in_dim3A_88 = vector.broadcast %jit3A_87 : f32 to vector<16xf32>
    %select_n3A = arith.select %eq3A_86, %broadcast_in_dim3A, %broadcast_in_dim3A_88 : vector<16xi1>, vector<16xf32>
    %broadcast_in_dim3A_89 = arith.constant 0.000000e+00 : f32
    %broadcast_in_dim3A_90 = vector.broadcast %broadcast_in_dim3A_89 : f32 to vector<16xf32>
    %scan3A = arith.constant 0 : i32
    %scan3A_91 = arith.constant 0 : i32
    %scan3A_92 = arith.constant 32 : i32
    %scan3A_93 = arith.addi %scan3A_91, %scan3A_92 : i32
    %scan3A_94 = arith.constant 1 : i32
    scf.for %scan3A_96 = %scan3A_91 to %scan3A_93 step %scan3A_94  : i32 {
      %mul3A_97 = arith.constant 20 : i32
      %mul3A_98 = arith.muli %scan3A_96, %mul3A_97 : i32
      %add3A_99 = arith.constant 0 : i32
      %add3A_100 = arith.addi %mul3A_98, %add3A_99 : i32
      %broadcast_in_dim3A_101 = vector.broadcast %add3A_100 : i32 to vector<16xi32>
      %gather3A = tpu.vector_load_idx %arg7[%broadcast_in_dim3A_101] : memref<640xi32, #tpu.memory_space<vmem>>[vector<16xi32>], vector<16xi32>,
      %eq3A_102 = arith.constant 1 : i32
      %eq3A_103 = vector.broadcast %eq3A_102 : i32 to vector<16xi32>
      %eq3A_104 = arith.cmpi eq, %gather3A, %eq3A_103 : vector<16xi32>
      %mul3A_105 = arith.constant 20 : i32
      %mul3A_106 = arith.muli %scan3A_96, %mul3A_105 : i32
      %add3A_107 = arith.constant 1 : i32
      %add3A_108 = arith.addi %mul3A_106, %add3A_107 : i32
      %broadcast_in_dim3A_109 = vector.broadcast %add3A_108 : i32 to vector<16xi32>
      %gather3A_110 = tpu.vector_load_idx %arg7[%broadcast_in_dim3A_109] : memref<640xi32, #tpu.memory_space<vmem>>[vector<16xi32>], vector<16xi32>,
      %eq3A_111 = arith.constant 1 : i32
      %eq3A_112 = vector.broadcast %eq3A_111 : i32 to vector<16xi32>
      %eq3A_113 = arith.cmpi eq, %gather3A_110, %eq3A_112 : vector<16xi32>
      %mul3A_114 = arith.constant 20 : i32
      %mul3A_115 = arith.muli %scan3A_96, %mul3A_114 : i32
      %add3A_116 = arith.constant 2 : i32
      %add3A_117 = arith.addi %mul3A_115, %add3A_116 : i32
      %broadcast_in_dim3A_118 = vector.broadcast %add3A_117 : i32 to vector<16xi32>
      %gather3A_119 = tpu.vector_load_idx %arg7[%broadcast_in_dim3A_118] : memref<640xi32, #tpu.memory_space<vmem>>[vector<16xi32>], vector<16xi32>,
      %eq3A_120 = arith.constant 1 : i32
      %eq3A_121 = vector.broadcast %eq3A_120 : i32 to vector<16xi32>
      %eq3A_122 = arith.cmpi eq, %gather3A_119, %eq3A_121 : vector<16xi32>
      %mul3A_123 = arith.constant 20 : i32
      %mul3A_124 = arith.muli %scan3A_96, %mul3A_123 : i32
      %add3A_125 = arith.constant 3 : i32
      %add3A_126 = arith.addi %mul3A_124, %add3A_125 : i32
      %broadcast_in_dim3A_127 = vector.broadcast %add3A_126 : i32 to vector<16xi32>
      %gather3A_128 = tpu.vector_load_idx %arg7[%broadcast_in_dim3A_127] : memref<640xi32, #tpu.memory_space<vmem>>[vector<16xi32>], vector<16xi32>,
      %eq3A_129 = arith.constant 1 : i32
      %eq3A_130 = vector.broadcast %eq3A_129 : i32 to vector<16xi32>
      %eq3A_131 = arith.cmpi eq, %gather3A_128, %eq3A_130 : vector<16xi32>
      %mul3A_132 = arith.constant 20 : i32
      %mul3A_133 = arith.muli %scan3A_96, %mul3A_132 : i32
      %add3A_134 = arith.constant 4 : i32
      %add3A_135 = arith.addi %mul3A_133, %add3A_134 : i32
      %broadcast_in_dim3A_136 = vector.broadcast %add3A_135 : i32 to vector<16xi32>
      %gather3A_137 = tpu.vector_load_idx %arg7[%broadcast_in_dim3A_136] : memref<640xi32, #tpu.memory_space<vmem>>[vector<16xi32>], vector<16xi32>,
      %eq3A_138 = arith.constant 1 : i32
      %eq3A_139 = vector.broadcast %eq3A_138 : i32 to vector<16xi32>
      %eq3A_140 = arith.cmpi eq, %gather3A_137, %eq3A_139 : vector<16xi32>
      %mul3A_141 = arith.constant 20 : i32
      %mul3A_142 = arith.muli %scan3A_96, %mul3A_141 : i32
      %add3A_143 = arith.constant 5 : i32
      %add3A_144 = arith.addi %mul3A_142, %add3A_143 : i32
      %broadcast_in_dim3A_145 = vector.broadcast %add3A_144 : i32 to vector<16xi32>
      %gather3A_146 = tpu.vector_load_idx %arg7[%broadcast_in_dim3A_145] : memref<640xi32, #tpu.memory_space<vmem>>[vector<16xi32>], vector<16xi32>,
      %eq3A_147 = arith.constant 1 : i32
      %eq3A_148 = vector.broadcast %eq3A_147 : i32 to vector<16xi32>
      %eq3A_149 = arith.cmpi eq, %gather3A_146, %eq3A_148 : vector<16xi32>
      %mul3A_150 = arith.constant 20 : i32
      %mul3A_151 = arith.muli %scan3A_96, %mul3A_150 : i32
      %add3A_152 = arith.constant 6 : i32
      %add3A_153 = arith.addi %mul3A_151, %add3A_152 : i32
      %broadcast_in_dim3A_154 = vector.broadcast %add3A_153 : i32 to vector<16xi32>
      %gather3A_155 = tpu.vector_load_idx %arg7[%broadcast_in_dim3A_154] : memref<640xi32, #tpu.memory_space<vmem>>[vector<16xi32>], vector<16xi32>,
      %eq3A_156 = arith.constant 1 : i32
      %eq3A_157 = vector.broadcast %eq3A_156 : i32 to vector<16xi32>
      %eq3A_158 = arith.cmpi eq, %gather3A_155, %eq3A_157 : vector<16xi32>
      %mul3A_159 = arith.constant 20 : i32
      %mul3A_160 = arith.muli %scan3A_96, %mul3A_159 : i32
      %add3A_161 = arith.constant 7 : i32
      %add3A_162 = arith.addi %mul3A_160, %add3A_161 : i32
      %broadcast_in_dim3A_163 = vector.broadcast %add3A_162 : i32 to vector<16xi32>
      %gather3A_164 = tpu.vector_load_idx %arg7[%broadcast_in_dim3A_163] : memref<640xi32, #tpu.memory_space<vmem>>[vector<16xi32>], vector<16xi32>,
      %eq3A_165 = arith.constant 1 : i32
      %eq3A_166 = vector.broadcast %eq3A_165 : i32 to vector<16xi32>
      %eq3A_167 = arith.cmpi eq, %gather3A_164, %eq3A_166 : vector<16xi32>
      %mul3A_168 = arith.constant 20 : i32
      %mul3A_169 = arith.muli %scan3A_96, %mul3A_168 : i32
      %add3A_170 = arith.constant 8 : i32
      %add3A_171 = arith.addi %mul3A_169, %add3A_170 : i32
      %broadcast_in_dim3A_172 = vector.broadcast %add3A_171 : i32 to vector<16xi32>
      %gather3A_173 = tpu.vector_load_idx %arg7[%broadcast_in_dim3A_172] : memref<640xi32, #tpu.memory_space<vmem>>[vector<16xi32>], vector<16xi32>,
      %eq3A_174 = arith.constant 1 : i32
      %eq3A_175 = vector.broadcast %eq3A_174 : i32 to vector<16xi32>
      %eq3A_176 = arith.cmpi eq, %gather3A_173, %eq3A_175 : vector<16xi32>
      %mul3A_177 = arith.constant 20 : i32
      %mul3A_178 = arith.muli %scan3A_96, %mul3A_177 : i32
      %add3A_179 = arith.constant 9 : i32
      %add3A_180 = arith.addi %mul3A_178, %add3A_179 : i32
      %broadcast_in_dim3A_181 = vector.broadcast %add3A_180 : i32 to vector<16xi32>
      %gather3A_182 = tpu.vector_load_idx %arg7[%broadcast_in_dim3A_181] : memref<640xi32, #tpu.memory_space<vmem>>[vector<16xi32>], vector<16xi32>,
      %eq3A_183 = arith.constant 1 : i32
      %eq3A_184 = vector.broadcast %eq3A_183 : i32 to vector<16xi32>
      %eq3A_185 = arith.cmpi eq, %gather3A_182, %eq3A_184 : vector<16xi32>
      %mul3A_186 = arith.constant 20 : i32
      %mul3A_187 = arith.muli %scan3A_96, %mul3A_186 : i32
      %add3A_188 = arith.constant 10 : i32
      %add3A_189 = arith.addi %mul3A_187, %add3A_188 : i32
      %broadcast_in_dim3A_190 = vector.broadcast %add3A_189 : i32 to vector<16xi32>
      %gather3A_191 = tpu.vector_load_idx %arg7[%broadcast_in_dim3A_190] : memref<640xi32, #tpu.memory_space<vmem>>[vector<16xi32>], vector<16xi32>,
      %eq3A_192 = arith.constant 1 : i32
      %eq3A_193 = vector.broadcast %eq3A_192 : i32 to vector<16xi32>
      %eq3A_194 = arith.cmpi eq, %gather3A_191, %eq3A_193 : vector<16xi32>
      %mul3A_195 = arith.constant 20 : i32
      %mul3A_196 = arith.muli %scan3A_96, %mul3A_195 : i32
      %add3A_197 = arith.constant 11 : i32
      %add3A_198 = arith.addi %mul3A_196, %add3A_197 : i32
      %broadcast_in_dim3A_199 = vector.broadcast %add3A_198 : i32 to vector<16xi32>
      %gather3A_200 = tpu.vector_load_idx %arg7[%broadcast_in_dim3A_199] : memref<640xi32, #tpu.memory_space<vmem>>[vector<16xi32>], vector<16xi32>,
      %eq3A_201 = arith.constant 1 : i32
      %eq3A_202 = vector.broadcast %eq3A_201 : i32 to vector<16xi32>
      %eq3A_203 = arith.cmpi eq, %gather3A_200, %eq3A_202 : vector<16xi32>
      %mul3A_204 = arith.constant 20 : i32
      %mul3A_205 = arith.muli %scan3A_96, %mul3A_204 : i32
      %add3A_206 = arith.constant 12 : i32
      %add3A_207 = arith.addi %mul3A_205, %add3A_206 : i32
      %broadcast_in_dim3A_208 = vector.broadcast %add3A_207 : i32 to vector<16xi32>
      %gather3A_209 = tpu.vector_load_idx %arg7[%broadcast_in_dim3A_208] : memref<640xi32, #tpu.memory_space<vmem>>[vector<16xi32>], vector<16xi32>,
      %eq3A_210 = arith.constant 1 : i32
      %eq3A_211 = vector.broadcast %eq3A_210 : i32 to vector<16xi32>
      %eq3A_212 = arith.cmpi eq, %gather3A_209, %eq3A_211 : vector<16xi32>
      %mul3A_213 = arith.constant 20 : i32
      %mul3A_214 = arith.muli %scan3A_96, %mul3A_213 : i32
      %add3A_215 = arith.constant 13 : i32
      %add3A_216 = arith.addi %mul3A_214, %add3A_215 : i32
      %broadcast_in_dim3A_217 = vector.broadcast %add3A_216 : i32 to vector<16xi32>
      %gather3A_218 = tpu.vector_load_idx %arg7[%broadcast_in_dim3A_217] : memref<640xi32, #tpu.memory_space<vmem>>[vector<16xi32>], vector<16xi32>,
      %eq3A_219 = arith.constant 1 : i32
      %eq3A_220 = vector.broadcast %eq3A_219 : i32 to vector<16xi32>
      %eq3A_221 = arith.cmpi eq, %gather3A_218, %eq3A_220 : vector<16xi32>
      %mul3A_222 = arith.constant 20 : i32
      %mul3A_223 = arith.muli %scan3A_96, %mul3A_222 : i32
      %add3A_224 = arith.constant 14 : i32
      %add3A_225 = arith.addi %mul3A_223, %add3A_224 : i32
      %broadcast_in_dim3A_226 = vector.broadcast %add3A_225 : i32 to vector<16xi32>
      %gather3A_227 = tpu.vector_load_idx %arg7[%broadcast_in_dim3A_226] : memref<640xi32, #tpu.memory_space<vmem>>[vector<16xi32>], vector<16xi32>,
      %eq3A_228 = arith.constant 1 : i32
      %eq3A_229 = vector.broadcast %eq3A_228 : i32 to vector<16xi32>
      %eq3A_230 = arith.cmpi eq, %gather3A_227, %eq3A_229 : vector<16xi32>
      %mul3A_231 = arith.constant 20 : i32
      %mul3A_232 = arith.muli %scan3A_96, %mul3A_231 : i32
      %add3A_233 = arith.constant 15 : i32
      %add3A_234 = arith.addi %mul3A_232, %add3A_233 : i32
      %broadcast_in_dim3A_235 = vector.broadcast %add3A_234 : i32 to vector<16xi32>
      %gather3A_236 = tpu.vector_load_idx %arg7[%broadcast_in_dim3A_235] : memref<640xi32, #tpu.memory_space<vmem>>[vector<16xi32>], vector<16xi32>,
      %eq3A_237 = arith.constant 1 : i32
      %eq3A_238 = vector.broadcast %eq3A_237 : i32 to vector<16xi32>
      %eq3A_239 = arith.cmpi eq, %gather3A_236, %eq3A_238 : vector<16xi32>
      %mul3A_240 = arith.constant 20 : i32
      %mul3A_241 = arith.muli %scan3A_96, %mul3A_240 : i32
      %add3A_242 = arith.constant 16 : i32
      %add3A_243 = arith.addi %mul3A_241, %add3A_242 : i32
      %broadcast_in_dim3A_244 = vector.broadcast %add3A_243 : i32 to vector<16xi32>
      %gather3A_245 = tpu.vector_load_idx %arg7[%broadcast_in_dim3A_244] : memref<640xi32, #tpu.memory_space<vmem>>[vector<16xi32>], vector<16xi32>,
      %eq3A_246 = arith.constant 1 : i32
      %eq3A_247 = vector.broadcast %eq3A_246 : i32 to vector<16xi32>
      %eq3A_248 = arith.cmpi eq, %gather3A_245, %eq3A_247 : vector<16xi32>
      %mul3A_249 = arith.constant 20 : i32
      %mul3A_250 = arith.muli %scan3A_96, %mul3A_249 : i32
      %add3A_251 = arith.constant 17 : i32
      %add3A_252 = arith.addi %mul3A_250, %add3A_251 : i32
      %broadcast_in_dim3A_253 = vector.broadcast %add3A_252 : i32 to vector<16xi32>
      %gather3A_254 = tpu.vector_load_idx %arg7[%broadcast_in_dim3A_253] : memref<640xi32, #tpu.memory_space<vmem>>[vector<16xi32>], vector<16xi32>,
      %eq3A_255 = arith.constant 1 : i32
      %eq3A_256 = vector.broadcast %eq3A_255 : i32 to vector<16xi32>
      %eq3A_257 = arith.cmpi eq, %gather3A_254, %eq3A_256 : vector<16xi32>
      %mul3A_258 = arith.constant 20 : i32
      %mul3A_259 = arith.muli %scan3A_96, %mul3A_258 : i32
      %add3A_260 = arith.constant 18 : i32
      %add3A_261 = arith.addi %mul3A_259, %add3A_260 : i32
      %broadcast_in_dim3A_262 = vector.broadcast %add3A_261 : i32 to vector<16xi32>
      %gather3A_263 = tpu.vector_load_idx %arg7[%broadcast_in_dim3A_262] : memref<640xi32, #tpu.memory_space<vmem>>[vector<16xi32>], vector<16xi32>,
      %eq3A_264 = arith.constant 1 : i32
      %eq3A_265 = vector.broadcast %eq3A_264 : i32 to vector<16xi32>
      %eq3A_266 = arith.cmpi eq, %gather3A_263, %eq3A_265 : vector<16xi32>
      %mul3A_267 = arith.constant 20 : i32
      %mul3A_268 = arith.muli %scan3A_96, %mul3A_267 : i32
      %add3A_269 = arith.constant 19 : i32
      %add3A_270 = arith.addi %mul3A_268, %add3A_269 : i32
      %broadcast_in_dim3A_271 = vector.broadcast %add3A_270 : i32 to vector<16xi32>
      %gather3A_272 = tpu.vector_load_idx %arg7[%broadcast_in_dim3A_271] : memref<640xi32, #tpu.memory_space<vmem>>[vector<16xi32>], vector<16xi32>,
      %eq3A_273 = arith.constant 1 : i32
      %eq3A_274 = vector.broadcast %eq3A_273 : i32 to vector<16xi32>
      %eq3A_275 = arith.cmpi eq, %gather3A_272, %eq3A_274 : vector<16xi32>
      %mul3A_276 = arith.constant 20 : i32
      %mul3A_277 = arith.muli %scan3A_96, %mul3A_276 : i32
      %get3A = arith.index_cast %mul3A_277 : i32 to index
      %get3A_278 = arith.constant 64 : index
      %get3A_279 = tpu.vector_load %arg8[%get3A, %get3A_278] {strides = array<i32>} : memref<640x128xf32, #tpu.memory_space<vmem>>, vector<16xf32>,
      %get3A_280 = arith.index_cast %mul3A_277 : i32 to index
      %get3A_281 = arith.constant 0 : index
      %get3A_282 = tpu.vector_load %arg8[%get3A_280, %get3A_281] {strides = array<i32>} : memref<640x128xf32, #tpu.memory_space<vmem>>, vector<16xf32>,
      %select_n3A_283 = arith.select %eq3A_104, %get3A_279, %get3A_282 : vector<16xi1>, vector<16xf32>
      %mul3A_284 = arith.constant 20 : i32
      %mul3A_285 = arith.muli %scan3A_96, %mul3A_284 : i32
      %add3A_286 = arith.constant 1 : i32
      %add3A_287 = arith.addi %mul3A_285, %add3A_286 : i32
      %get3A_288 = arith.index_cast %add3A_287 : i32 to index
      %get3A_289 = arith.constant 64 : index
      %get3A_290 = tpu.vector_load %arg8[%get3A_288, %get3A_289] {strides = array<i32>} : memref<640x128xf32, #tpu.memory_space<vmem>>, vector<16xf32>,
      %get3A_291 = arith.index_cast %add3A_287 : i32 to index
      %get3A_292 = arith.constant 0 : index
      %get3A_293 = tpu.vector_load %arg8[%get3A_291, %get3A_292] {strides = array<i32>} : memref<640x128xf32, #tpu.memory_space<vmem>>, vector<16xf32>,
      %select_n3A_294 = arith.select %eq3A_113, %get3A_290, %get3A_293 : vector<16xi1>, vector<16xf32>
      %add3A_295 = arith.addf %select_n3A_283, %select_n3A_294 : vector<16xf32>
      %mul3A_296 = arith.constant 20 : i32
      %mul3A_297 = arith.muli %scan3A_96, %mul3A_296 : i32
      %add3A_298 = arith.constant 2 : i32
      %add3A_299 = arith.addi %mul3A_297, %add3A_298 : i32
      %get3A_300 = arith.index_cast %add3A_299 : i32 to index
      %get3A_301 = arith.constant 64 : index
      %get3A_302 = tpu.vector_load %arg8[%get3A_300, %get3A_301] {strides = array<i32>} : memref<640x128xf32, #tpu.memory_space<vmem>>, vector<16xf32>,
      %get3A_303 = arith.index_cast %add3A_299 : i32 to index
      %get3A_304 = arith.constant 0 : index
      %get3A_305 = tpu.vector_load %arg8[%get3A_303, %get3A_304] {strides = array<i32>} : memref<640x128xf32, #tpu.memory_space<vmem>>, vector<16xf32>,
      %select_n3A_306 = arith.select %eq3A_122, %get3A_302, %get3A_305 : vector<16xi1>, vector<16xf32>
      %add3A_307 = arith.addf %add3A_295, %select_n3A_306 : vector<16xf32>
      %mul3A_308 = arith.constant 20 : i32
      %mul3A_309 = arith.muli %scan3A_96, %mul3A_308 : i32
      %add3A_310 = arith.constant 3 : i32
      %add3A_311 = arith.addi %mul3A_309, %add3A_310 : i32
      %get3A_312 = arith.index_cast %add3A_311 : i32 to index
      %get3A_313 = arith.constant 64 : index
      %get3A_314 = tpu.vector_load %arg8[%get3A_312, %get3A_313] {strides = array<i32>} : memref<640x128xf32, #tpu.memory_space<vmem>>, vector<16xf32>,
      %get3A_315 = arith.index_cast %add3A_311 : i32 to index
      %get3A_316 = arith.constant 0 : index
      %get3A_317 = tpu.vector_load %arg8[%get3A_315, %get3A_316] {strides = array<i32>} : memref<640x128xf32, #tpu.memory_space<vmem>>, vector<16xf32>,
      %select_n3A_318 = arith.select %eq3A_131, %get3A_314, %get3A_317 : vector<16xi1>, vector<16xf32>
      %add3A_319 = arith.addf %add3A_307, %select_n3A_318 : vector<16xf32>
      %mul3A_320 = arith.constant 20 : i32
      %mul3A_321 = arith.muli %scan3A_96, %mul3A_320 : i32
      %add3A_322 = arith.constant 4 : i32
      %add3A_323 = arith.addi %mul3A_321, %add3A_322 : i32
      %get3A_324 = arith.index_cast %add3A_323 : i32 to index
      %get3A_325 = arith.constant 64 : index
      %get3A_326 = tpu.vector_load %arg8[%get3A_324, %get3A_325] {strides = array<i32>} : memref<640x128xf32, #tpu.memory_space<vmem>>, vector<16xf32>,
      %get3A_327 = arith.index_cast %add3A_323 : i32 to index
      %get3A_328 = arith.constant 0 : index
      %get3A_329 = tpu.vector_load %arg8[%get3A_327, %get3A_328] {strides = array<i32>} : memref<640x128xf32, #tpu.memory_space<vmem>>, vector<16xf32>,
      %select_n3A_330 = arith.select %eq3A_140, %get3A_326, %get3A_329 : vector<16xi1>, vector<16xf32>
      %add3A_331 = arith.addf %add3A_319, %select_n3A_330 : vector<16xf32>
      %mul3A_332 = arith.constant 20 : i32
      %mul3A_333 = arith.muli %scan3A_96, %mul3A_332 : i32
      %add3A_334 = arith.constant 5 : i32
      %add3A_335 = arith.addi %mul3A_333, %add3A_334 : i32
      %get3A_336 = arith.index_cast %add3A_335 : i32 to index
      %get3A_337 = arith.constant 64 : index
      %get3A_338 = tpu.vector_load %arg8[%get3A_336, %get3A_337] {strides = array<i32>} : memref<640x128xf32, #tpu.memory_space<vmem>>, vector<16xf32>,
      %get3A_339 = arith.index_cast %add3A_335 : i32 to index
      %get3A_340 = arith.constant 0 : index
      %get3A_341 = tpu.vector_load %arg8[%get3A_339, %get3A_340] {strides = array<i32>} : memref<640x128xf32, #tpu.memory_space<vmem>>, vector<16xf32>,
      %select_n3A_342 = arith.select %eq3A_149, %get3A_338, %get3A_341 : vector<16xi1>, vector<16xf32>
      %add3A_343 = arith.addf %add3A_331, %select_n3A_342 : vector<16xf32>
      %mul3A_344 = arith.constant 20 : i32
      %mul3A_345 = arith.muli %scan3A_96, %mul3A_344 : i32
      %add3A_346 = arith.constant 6 : i32
      %add3A_347 = arith.addi %mul3A_345, %add3A_346 : i32
      %get3A_348 = arith.index_cast %add3A_347 : i32 to index
      %get3A_349 = arith.constant 64 : index
      %get3A_350 = tpu.vector_load %arg8[%get3A_348, %get3A_349] {strides = array<i32>} : memref<640x128xf32, #tpu.memory_space<vmem>>, vector<16xf32>,
      %get3A_351 = arith.index_cast %add3A_347 : i32 to index
      %get3A_352 = arith.constant 0 : index
      %get3A_353 = tpu.vector_load %arg8[%get3A_351, %get3A_352] {strides = array<i32>} : memref<640x128xf32, #tpu.memory_space<vmem>>, vector<16xf32>,
      %select_n3A_354 = arith.select %eq3A_158, %get3A_350, %get3A_353 : vector<16xi1>, vector<16xf32>
      %add3A_355 = arith.addf %add3A_343, %select_n3A_354 : vector<16xf32>
      %mul3A_356 = arith.constant 20 : i32
      %mul3A_357 = arith.muli %scan3A_96, %mul3A_356 : i32
      %add3A_358 = arith.constant 7 : i32
      %add3A_359 = arith.addi %mul3A_357, %add3A_358 : i32
      %get3A_360 = arith.index_cast %add3A_359 : i32 to index
      %get3A_361 = arith.constant 64 : index
      %get3A_362 = tpu.vector_load %arg8[%get3A_360, %get3A_361] {strides = array<i32>} : memref<640x128xf32, #tpu.memory_space<vmem>>, vector<16xf32>,
      %get3A_363 = arith.index_cast %add3A_359 : i32 to index
      %get3A_364 = arith.constant 0 : index
      %get3A_365 = tpu.vector_load %arg8[%get3A_363, %get3A_364] {strides = array<i32>} : memref<640x128xf32, #tpu.memory_space<vmem>>, vector<16xf32>,
      %select_n3A_366 = arith.select %eq3A_167, %get3A_362, %get3A_365 : vector<16xi1>, vector<16xf32>
      %add3A_367 = arith.addf %add3A_355, %select_n3A_366 : vector<16xf32>
      %mul3A_368 = arith.constant 20 : i32
      %mul3A_369 = arith.muli %scan3A_96, %mul3A_368 : i32
      %add3A_370 = arith.constant 8 : i32
      %add3A_371 = arith.addi %mul3A_369, %add3A_370 : i32
      %get3A_372 = arith.index_cast %add3A_371 : i32 to index
      %get3A_373 = arith.constant 64 : index
      %get3A_374 = tpu.vector_load %arg8[%get3A_372, %get3A_373] {strides = array<i32>} : memref<640x128xf32, #tpu.memory_space<vmem>>, vector<16xf32>,
      %get3A_375 = arith.index_cast %add3A_371 : i32 to index
      %get3A_376 = arith.constant 0 : index
      %get3A_377 = tpu.vector_load %arg8[%get3A_375, %get3A_376] {strides = array<i32>} : memref<640x128xf32, #tpu.memory_space<vmem>>, vector<16xf32>,
      %select_n3A_378 = arith.select %eq3A_176, %get3A_374, %get3A_377 : vector<16xi1>, vector<16xf32>
      %add3A_379 = arith.addf %add3A_367, %select_n3A_378 : vector<16xf32>
      %mul3A_380 = arith.constant 20 : i32
      %mul3A_381 = arith.muli %scan3A_96, %mul3A_380 : i32
      %add3A_382 = arith.constant 9 : i32
      %add3A_383 = arith.addi %mul3A_381, %add3A_382 : i32
      %get3A_384 = arith.index_cast %add3A_383 : i32 to index
      %get3A_385 = arith.constant 64 : index
      %get3A_386 = tpu.vector_load %arg8[%get3A_384, %get3A_385] {strides = array<i32>} : memref<640x128xf32, #tpu.memory_space<vmem>>, vector<16xf32>,
      %get3A_387 = arith.index_cast %add3A_383 : i32 to index
      %get3A_388 = arith.constant 0 : index
      %get3A_389 = tpu.vector_load %arg8[%get3A_387, %get3A_388] {strides = array<i32>} : memref<640x128xf32, #tpu.memory_space<vmem>>, vector<16xf32>,
      %select_n3A_390 = arith.select %eq3A_185, %get3A_386, %get3A_389 : vector<16xi1>, vector<16xf32>
      %add3A_391 = arith.addf %add3A_379, %select_n3A_390 : vector<16xf32>
      %mul3A_392 = arith.constant 20 : i32
      %mul3A_393 = arith.muli %scan3A_96, %mul3A_392 : i32
      %add3A_394 = arith.constant 10 : i32
      %add3A_395 = arith.addi %mul3A_393, %add3A_394 : i32
      %get3A_396 = arith.index_cast %add3A_395 : i32 to index
      %get3A_397 = arith.constant 64 : index
      %get3A_398 = tpu.vector_load %arg8[%get3A_396, %get3A_397] {strides = array<i32>} : memref<640x128xf32, #tpu.memory_space<vmem>>, vector<16xf32>,
      %get3A_399 = arith.index_cast %add3A_395 : i32 to index
      %get3A_400 = arith.constant 0 : index
      %get3A_401 = tpu.vector_load %arg8[%get3A_399, %get3A_400] {strides = array<i32>} : memref<640x128xf32, #tpu.memory_space<vmem>>, vector<16xf32>,
      %select_n3A_402 = arith.select %eq3A_194, %get3A_398, %get3A_401 : vector<16xi1>, vector<16xf32>
      %add3A_403 = arith.addf %add3A_391, %select_n3A_402 : vector<16xf32>
      %mul3A_404 = arith.constant 20 : i32
      %mul3A_405 = arith.muli %scan3A_96, %mul3A_404 : i32
      %add3A_406 = arith.constant 11 : i32
      %add3A_407 = arith.addi %mul3A_405, %add3A_406 : i32
      %get3A_408 = arith.index_cast %add3A_407 : i32 to index
      %get3A_409 = arith.constant 64 : index
      %get3A_410 = tpu.vector_load %arg8[%get3A_408, %get3A_409] {strides = array<i32>} : memref<640x128xf32, #tpu.memory_space<vmem>>, vector<16xf32>,
      %get3A_411 = arith.index_cast %add3A_407 : i32 to index
      %get3A_412 = arith.constant 0 : index
      %get3A_413 = tpu.vector_load %arg8[%get3A_411, %get3A_412] {strides = array<i32>} : memref<640x128xf32, #tpu.memory_space<vmem>>, vector<16xf32>,
      %select_n3A_414 = arith.select %eq3A_203, %get3A_410, %get3A_413 : vector<16xi1>, vector<16xf32>
      %add3A_415 = arith.addf %add3A_403, %select_n3A_414 : vector<16xf32>
      %mul3A_416 = arith.constant 20 : i32
      %mul3A_417 = arith.muli %scan3A_96, %mul3A_416 : i32
      %add3A_418 = arith.constant 12 : i32
      %add3A_419 = arith.addi %mul3A_417, %add3A_418 : i32
      %get3A_420 = arith.index_cast %add3A_419 : i32 to index
      %get3A_421 = arith.constant 64 : index
      %get3A_422 = tpu.vector_load %arg8[%get3A_420, %get3A_421] {strides = array<i32>} : memref<640x128xf32, #tpu.memory_space<vmem>>, vector<16xf32>,
      %get3A_423 = arith.index_cast %add3A_419 : i32 to index
      %get3A_424 = arith.constant 0 : index
      %get3A_425 = tpu.vector_load %arg8[%get3A_423, %get3A_424] {strides = array<i32>} : memref<640x128xf32, #tpu.memory_space<vmem>>, vector<16xf32>,
      %select_n3A_426 = arith.select %eq3A_212, %get3A_422, %get3A_425 : vector<16xi1>, vector<16xf32>
      %add3A_427 = arith.addf %add3A_415, %select_n3A_426 : vector<16xf32>
      %mul3A_428 = arith.constant 20 : i32
      %mul3A_429 = arith.muli %scan3A_96, %mul3A_428 : i32
      %add3A_430 = arith.constant 13 : i32
      %add3A_431 = arith.addi %mul3A_429, %add3A_430 : i32
      %get3A_432 = arith.index_cast %add3A_431 : i32 to index
      %get3A_433 = arith.constant 64 : index
      %get3A_434 = tpu.vector_load %arg8[%get3A_432, %get3A_433] {strides = array<i32>} : memref<640x128xf32, #tpu.memory_space<vmem>>, vector<16xf32>,
      %get3A_435 = arith.index_cast %add3A_431 : i32 to index
      %get3A_436 = arith.constant 0 : index
      %get3A_437 = tpu.vector_load %arg8[%get3A_435, %get3A_436] {strides = array<i32>} : memref<640x128xf32, #tpu.memory_space<vmem>>, vector<16xf32>,
      %select_n3A_438 = arith.select %eq3A_221, %get3A_434, %get3A_437 : vector<16xi1>, vector<16xf32>
      %add3A_439 = arith.addf %add3A_427, %select_n3A_438 : vector<16xf32>
      %mul3A_440 = arith.constant 20 : i32
      %mul3A_441 = arith.muli %scan3A_96, %mul3A_440 : i32
      %add3A_442 = arith.constant 14 : i32
      %add3A_443 = arith.addi %mul3A_441, %add3A_442 : i32
      %get3A_444 = arith.index_cast %add3A_443 : i32 to index
      %get3A_445 = arith.constant 64 : index
      %get3A_446 = tpu.vector_load %arg8[%get3A_444, %get3A_445] {strides = array<i32>} : memref<640x128xf32, #tpu.memory_space<vmem>>, vector<16xf32>,
      %get3A_447 = arith.index_cast %add3A_443 : i32 to index
      %get3A_448 = arith.constant 0 : index
      %get3A_449 = tpu.vector_load %arg8[%get3A_447, %get3A_448] {strides = array<i32>} : memref<640x128xf32, #tpu.memory_space<vmem>>, vector<16xf32>,
      %select_n3A_450 = arith.select %eq3A_230, %get3A_446, %get3A_449 : vector<16xi1>, vector<16xf32>
      %add3A_451 = arith.addf %add3A_439, %select_n3A_450 : vector<16xf32>
      %mul3A_452 = arith.constant 20 : i32
      %mul3A_453 = arith.muli %scan3A_96, %mul3A_452 : i32
      %add3A_454 = arith.constant 15 : i32
      %add3A_455 = arith.addi %mul3A_453, %add3A_454 : i32
      %get3A_456 = arith.index_cast %add3A_455 : i32 to index
      %get3A_457 = arith.constant 64 : index
      %get3A_458 = tpu.vector_load %arg8[%get3A_456, %get3A_457] {strides = array<i32>} : memref<640x128xf32, #tpu.memory_space<vmem>>, vector<16xf32>,
      %get3A_459 = arith.index_cast %add3A_455 : i32 to index
      %get3A_460 = arith.constant 0 : index
      %get3A_461 = tpu.vector_load %arg8[%get3A_459, %get3A_460] {strides = array<i32>} : memref<640x128xf32, #tpu.memory_space<vmem>>, vector<16xf32>,
      %select_n3A_462 = arith.select %eq3A_239, %get3A_458, %get3A_461 : vector<16xi1>, vector<16xf32>
      %add3A_463 = arith.addf %add3A_451, %select_n3A_462 : vector<16xf32>
      %mul3A_464 = arith.constant 20 : i32
      %mul3A_465 = arith.muli %scan3A_96, %mul3A_464 : i32
      %add3A_466 = arith.constant 16 : i32
      %add3A_467 = arith.addi %mul3A_465, %add3A_466 : i32
      %get3A_468 = arith.index_cast %add3A_467 : i32 to index
      %get3A_469 = arith.constant 64 : index
      %get3A_470 = tpu.vector_load %arg8[%get3A_468, %get3A_469] {strides = array<i32>} : memref<640x128xf32, #tpu.memory_space<vmem>>, vector<16xf32>,
      %get3A_471 = arith.index_cast %add3A_467 : i32 to index
      %get3A_472 = arith.constant 0 : index
      %get3A_473 = tpu.vector_load %arg8[%get3A_471, %get3A_472] {strides = array<i32>} : memref<640x128xf32, #tpu.memory_space<vmem>>, vector<16xf32>,
      %select_n3A_474 = arith.select %eq3A_248, %get3A_470, %get3A_473 : vector<16xi1>, vector<16xf32>
      %add3A_475 = arith.addf %add3A_463, %select_n3A_474 : vector<16xf32>
      %mul3A_476 = arith.constant 20 : i32
      %mul3A_477 = arith.muli %scan3A_96, %mul3A_476 : i32
      %add3A_478 = arith.constant 17 : i32
      %add3A_479 = arith.addi %mul3A_477, %add3A_478 : i32
      %get3A_480 = arith.index_cast %add3A_479 : i32 to index
      %get3A_481 = arith.constant 64 : index
      %get3A_482 = tpu.vector_load %arg8[%get3A_480, %get3A_481] {strides = array<i32>} : memref<640x128xf32, #tpu.memory_space<vmem>>, vector<16xf32>,
      %get3A_483 = arith.index_cast %add3A_479 : i32 to index
      %get3A_484 = arith.constant 0 : index
      %get3A_485 = tpu.vector_load %arg8[%get3A_483, %get3A_484] {strides = array<i32>} : memref<640x128xf32, #tpu.memory_space<vmem>>, vector<16xf32>,
      %select_n3A_486 = arith.select %eq3A_257, %get3A_482, %get3A_485 : vector<16xi1>, vector<16xf32>
      %add3A_487 = arith.addf %add3A_475, %select_n3A_486 : vector<16xf32>
      %mul3A_488 = arith.constant 20 : i32
      %mul3A_489 = arith.muli %scan3A_96, %mul3A_488 : i32
      %add3A_490 = arith.constant 18 : i32
      %add3A_491 = arith.addi %mul3A_489, %add3A_490 : i32
      %get3A_492 = arith.index_cast %add3A_491 : i32 to index
      %get3A_493 = arith.constant 64 : index
      %get3A_494 = tpu.vector_load %arg8[%get3A_492, %get3A_493] {strides = array<i32>} : memref<640x128xf32, #tpu.memory_space<vmem>>, vector<16xf32>,
      %get3A_495 = arith.index_cast %add3A_491 : i32 to index
      %get3A_496 = arith.constant 0 : index
      %get3A_497 = tpu.vector_load %arg8[%get3A_495, %get3A_496] {strides = array<i32>} : memref<640x128xf32, #tpu.memory_space<vmem>>, vector<16xf32>,
      %select_n3A_498 = arith.select %eq3A_266, %get3A_494, %get3A_497 : vector<16xi1>, vector<16xf32>
      %add3A_499 = arith.addf %add3A_487, %select_n3A_498 : vector<16xf32>
      %mul3A_500 = arith.constant 20 : i32
      %mul3A_501 = arith.muli %scan3A_96, %mul3A_500 : i32
      %add3A_502 = arith.constant 19 : i32
      %add3A_503 = arith.addi %mul3A_501, %add3A_502 : i32
      %get3A_504 = arith.index_cast %add3A_503 : i32 to index
      %get3A_505 = arith.constant 64 : index
      %get3A_506 = tpu.vector_load %arg8[%get3A_504, %get3A_505] {strides = array<i32>} : memref<640x128xf32, #tpu.memory_space<vmem>>, vector<16xf32>,
      %get3A_507 = arith.index_cast %add3A_503 : i32 to index
      %get3A_508 = arith.constant 0 : index
      %get3A_509 = tpu.vector_load %arg8[%get3A_507, %get3A_508] {strides = array<i32>} : memref<640x128xf32, #tpu.memory_space<vmem>>, vector<16xf32>,
      %select_n3A_510 = arith.select %eq3A_275, %get3A_506, %get3A_509 : vector<16xi1>, vector<16xf32>
      %add3A_511 = arith.addf %add3A_499, %select_n3A_510 : vector<16xf32>
      %mul3A_512 = arith.constant 20 : i32
      %mul3A_513 = arith.muli %scan3A_96, %mul3A_512 : i32
      %get3A_514 = arith.index_cast %mul3A_513 : i32 to index
      %get3A_515 = arith.constant 80 : index
      %get3A_516 = tpu.vector_load %arg8[%get3A_514, %get3A_515] {strides = array<i32>} : memref<640x128xf32, #tpu.memory_space<vmem>>, vector<16xf32>,
      %get3A_517 = arith.index_cast %mul3A_513 : i32 to index
      %get3A_518 = arith.constant 16 : index
      %get3A_519 = tpu.vector_load %arg8[%get3A_517, %get3A_518] {strides = array<i32>} : memref<640x128xf32, #tpu.memory_space<vmem>>, vector<16xf32>,
      %select_n3A_520 = arith.select %eq3A_104, %get3A_516, %get3A_519 : vector<16xi1>, vector<16xf32>
      %mul3A_521 = arith.constant 20 : i32
      %mul3A_522 = arith.muli %scan3A_96, %mul3A_521 : i32
      %add3A_523 = arith.constant 1 : i32
      %add3A_524 = arith.addi %mul3A_522, %add3A_523 : i32
      %get3A_525 = arith.index_cast %add3A_524 : i32 to index
      %get3A_526 = arith.constant 80 : index
      %get3A_527 = tpu.vector_load %arg8[%get3A_525, %get3A_526] {strides = array<i32>} : memref<640x128xf32, #tpu.memory_space<vmem>>, vector<16xf32>,
      %get3A_528 = arith.index_cast %add3A_524 : i32 to index
      %get3A_529 = arith.constant 16 : index
      %get3A_530 = tpu.vector_load %arg8[%get3A_528, %get3A_529] {strides = array<i32>} : memref<640x128xf32, #tpu.memory_space<vmem>>, vector<16xf32>,
      %select_n3A_531 = arith.select %eq3A_113, %get3A_527, %get3A_530 : vector<16xi1>, vector<16xf32>
      %add3A_532 = arith.addf %select_n3A_520, %select_n3A_531 : vector<16xf32>
      %mul3A_533 = arith.constant 20 : i32
      %mul3A_534 = arith.muli %scan3A_96, %mul3A_533 : i32
      %add3A_535 = arith.constant 2 : i32
      %add3A_536 = arith.addi %mul3A_534, %add3A_535 : i32
      %get3A_537 = arith.index_cast %add3A_536 : i32 to index
      %get3A_538 = arith.constant 80 : index
      %get3A_539 = tpu.vector_load %arg8[%get3A_537, %get3A_538] {strides = array<i32>} : memref<640x128xf32, #tpu.memory_space<vmem>>, vector<16xf32>,
      %get3A_540 = arith.index_cast %add3A_536 : i32 to index
      %get3A_541 = arith.constant 16 : index
      %get3A_542 = tpu.vector_load %arg8[%get3A_540, %get3A_541] {strides = array<i32>} : memref<640x128xf32, #tpu.memory_space<vmem>>, vector<16xf32>,
      %select_n3A_543 = arith.select %eq3A_122, %get3A_539, %get3A_542 : vector<16xi1>, vector<16xf32>
      %add3A_544 = arith.addf %add3A_532, %select_n3A_543 : vector<16xf32>
      %mul3A_545 = arith.constant 20 : i32
      %mul3A_546 = arith.muli %scan3A_96, %mul3A_545 : i32
      %add3A_547 = arith.constant 3 : i32
      %add3A_548 = arith.addi %mul3A_546, %add3A_547 : i32
      %get3A_549 = arith.index_cast %add3A_548 : i32 to index
      %get3A_550 = arith.constant 80 : index
      %get3A_551 = tpu.vector_load %arg8[%get3A_549, %get3A_550] {strides = array<i32>} : memref<640x128xf32, #tpu.memory_space<vmem>>, vector<16xf32>,
      %get3A_552 = arith.index_cast %add3A_548 : i32 to index
      %get3A_553 = arith.constant 16 : index
      %get3A_554 = tpu.vector_load %arg8[%get3A_552, %get3A_553] {strides = array<i32>} : memref<640x128xf32, #tpu.memory_space<vmem>>, vector<16xf32>,
      %select_n3A_555 = arith.select %eq3A_131, %get3A_551, %get3A_554 : vector<16xi1>, vector<16xf32>
      %add3A_556 = arith.addf %add3A_544, %select_n3A_555 : vector<16xf32>
      %mul3A_557 = arith.constant 20 : i32
      %mul3A_558 = arith.muli %scan3A_96, %mul3A_557 : i32
      %add3A_559 = arith.constant 4 : i32
      %add3A_560 = arith.addi %mul3A_558, %add3A_559 : i32
      %get3A_561 = arith.index_cast %add3A_560 : i32 to index
      %get3A_562 = arith.constant 80 : index
      %get3A_563 = tpu.vector_load %arg8[%get3A_561, %get3A_562] {strides = array<i32>} : memref<640x128xf32, #tpu.memory_space<vmem>>, vector<16xf32>,
      %get3A_564 = arith.index_cast %add3A_560 : i32 to index
      %get3A_565 = arith.constant 16 : index
      %get3A_566 = tpu.vector_load %arg8[%get3A_564, %get3A_565] {strides = array<i32>} : memref<640x128xf32, #tpu.memory_space<vmem>>, vector<16xf32>,
      %select_n3A_567 = arith.select %eq3A_140, %get3A_563, %get3A_566 : vector<16xi1>, vector<16xf32>
      %add3A_568 = arith.addf %add3A_556, %select_n3A_567 : vector<16xf32>
      %mul3A_569 = arith.constant 20 : i32
      %mul3A_570 = arith.muli %scan3A_96, %mul3A_569 : i32
      %add3A_571 = arith.constant 5 : i32
      %add3A_572 = arith.addi %mul3A_570, %add3A_571 : i32
      %get3A_573 = arith.index_cast %add3A_572 : i32 to index
      %get3A_574 = arith.constant 80 : index
      %get3A_575 = tpu.vector_load %arg8[%get3A_573, %get3A_574] {strides = array<i32>} : memref<640x128xf32, #tpu.memory_space<vmem>>, vector<16xf32>,
      %get3A_576 = arith.index_cast %add3A_572 : i32 to index
      %get3A_577 = arith.constant 16 : index
      %get3A_578 = tpu.vector_load %arg8[%get3A_576, %get3A_577] {strides = array<i32>} : memref<640x128xf32, #tpu.memory_space<vmem>>, vector<16xf32>,
      %select_n3A_579 = arith.select %eq3A_149, %get3A_575, %get3A_578 : vector<16xi1>, vector<16xf32>
      %add3A_580 = arith.addf %add3A_568, %select_n3A_579 : vector<16xf32>
      %mul3A_581 = arith.constant 20 : i32
      %mul3A_582 = arith.muli %scan3A_96, %mul3A_581 : i32
      %add3A_583 = arith.constant 6 : i32
      %add3A_584 = arith.addi %mul3A_582, %add3A_583 : i32
      %get3A_585 = arith.index_cast %add3A_584 : i32 to index
      %get3A_586 = arith.constant 80 : index
      %get3A_587 = tpu.vector_load %arg8[%get3A_585, %get3A_586] {strides = array<i32>} : memref<640x128xf32, #tpu.memory_space<vmem>>, vector<16xf32>,
      %get3A_588 = arith.index_cast %add3A_584 : i32 to index
      %get3A_589 = arith.constant 16 : index
      %get3A_590 = tpu.vector_load %arg8[%get3A_588, %get3A_589] {strides = array<i32>} : memref<640x128xf32, #tpu.memory_space<vmem>>, vector<16xf32>,
      %select_n3A_591 = arith.select %eq3A_158, %get3A_587, %get3A_590 : vector<16xi1>, vector<16xf32>
      %add3A_592 = arith.addf %add3A_580, %select_n3A_591 : vector<16xf32>
      %mul3A_593 = arith.constant 20 : i32
      %mul3A_594 = arith.muli %scan3A_96, %mul3A_593 : i32
      %add3A_595 = arith.constant 7 : i32
      %add3A_596 = arith.addi %mul3A_594, %add3A_595 : i32
      %get3A_597 = arith.index_cast %add3A_596 : i32 to index
      %get3A_598 = arith.constant 80 : index
      %get3A_599 = tpu.vector_load %arg8[%get3A_597, %get3A_598] {strides = array<i32>} : memref<640x128xf32, #tpu.memory_space<vmem>>, vector<16xf32>,
      %get3A_600 = arith.index_cast %add3A_596 : i32 to index
      %get3A_601 = arith.constant 16 : index
      %get3A_602 = tpu.vector_load %arg8[%get3A_600, %get3A_601] {strides = array<i32>} : memref<640x128xf32, #tpu.memory_space<vmem>>, vector<16xf32>,
      %select_n3A_603 = arith.select %eq3A_167, %get3A_599, %get3A_602 : vector<16xi1>, vector<16xf32>
      %add3A_604 = arith.addf %add3A_592, %select_n3A_603 : vector<16xf32>
      %mul3A_605 = arith.constant 20 : i32
      %mul3A_606 = arith.muli %scan3A_96, %mul3A_605 : i32
      %add3A_607 = arith.constant 8 : i32
      %add3A_608 = arith.addi %mul3A_606, %add3A_607 : i32
      %get3A_609 = arith.index_cast %add3A_608 : i32 to index
      %get3A_610 = arith.constant 80 : index
      %get3A_611 = tpu.vector_load %arg8[%get3A_609, %get3A_610] {strides = array<i32>} : memref<640x128xf32, #tpu.memory_space<vmem>>, vector<16xf32>,
      %get3A_612 = arith.index_cast %add3A_608 : i32 to index
      %get3A_613 = arith.constant 16 : index
      %get3A_614 = tpu.vector_load %arg8[%get3A_612, %get3A_613] {strides = array<i32>} : memref<640x128xf32, #tpu.memory_space<vmem>>, vector<16xf32>,
      %select_n3A_615 = arith.select %eq3A_176, %get3A_611, %get3A_614 : vector<16xi1>, vector<16xf32>
      %add3A_616 = arith.addf %add3A_604, %select_n3A_615 : vector<16xf32>
      %mul3A_617 = arith.constant 20 : i32
      %mul3A_618 = arith.muli %scan3A_96, %mul3A_617 : i32
      %add3A_619 = arith.constant 9 : i32
      %add3A_620 = arith.addi %mul3A_618, %add3A_619 : i32
      %get3A_621 = arith.index_cast %add3A_620 : i32 to index
      %get3A_622 = arith.constant 80 : index
      %get3A_623 = tpu.vector_load %arg8[%get3A_621, %get3A_622] {strides = array<i32>} : memref<640x128xf32, #tpu.memory_space<vmem>>, vector<16xf32>,
      %get3A_624 = arith.index_cast %add3A_620 : i32 to index
      %get3A_625 = arith.constant 16 : index
      %get3A_626 = tpu.vector_load %arg8[%get3A_624, %get3A_625] {strides = array<i32>} : memref<640x128xf32, #tpu.memory_space<vmem>>, vector<16xf32>,
      %select_n3A_627 = arith.select %eq3A_185, %get3A_623, %get3A_626 : vector<16xi1>, vector<16xf32>
      %add3A_628 = arith.addf %add3A_616, %select_n3A_627 : vector<16xf32>
      %mul3A_629 = arith.constant 20 : i32
      %mul3A_630 = arith.muli %scan3A_96, %mul3A_629 : i32
      %add3A_631 = arith.constant 10 : i32
      %add3A_632 = arith.addi %mul3A_630, %add3A_631 : i32
      %get3A_633 = arith.index_cast %add3A_632 : i32 to index
      %get3A_634 = arith.constant 80 : index
      %get3A_635 = tpu.vector_load %arg8[%get3A_633, %get3A_634] {strides = array<i32>} : memref<640x128xf32, #tpu.memory_space<vmem>>, vector<16xf32>,
      %get3A_636 = arith.index_cast %add3A_632 : i32 to index
      %get3A_637 = arith.constant 16 : index
      %get3A_638 = tpu.vector_load %arg8[%get3A_636, %get3A_637] {strides = array<i32>} : memref<640x128xf32, #tpu.memory_space<vmem>>, vector<16xf32>,
      %select_n3A_639 = arith.select %eq3A_194, %get3A_635, %get3A_638 : vector<16xi1>, vector<16xf32>
      %add3A_640 = arith.addf %add3A_628, %select_n3A_639 : vector<16xf32>
      %mul3A_641 = arith.constant 20 : i32
      %mul3A_642 = arith.muli %scan3A_96, %mul3A_641 : i32
      %add3A_643 = arith.constant 11 : i32
      %add3A_644 = arith.addi %mul3A_642, %add3A_643 : i32
      %get3A_645 = arith.index_cast %add3A_644 : i32 to index
      %get3A_646 = arith.constant 80 : index
      %get3A_647 = tpu.vector_load %arg8[%get3A_645, %get3A_646] {strides = array<i32>} : memref<640x128xf32, #tpu.memory_space<vmem>>, vector<16xf32>,
      %get3A_648 = arith.index_cast %add3A_644 : i32 to index
      %get3A_649 = arith.constant 16 : index
      %get3A_650 = tpu.vector_load %arg8[%get3A_648, %get3A_649] {strides = array<i32>} : memref<640x128xf32, #tpu.memory_space<vmem>>, vector<16xf32>,
      %select_n3A_651 = arith.select %eq3A_203, %get3A_647, %get3A_650 : vector<16xi1>, vector<16xf32>
      %add3A_652 = arith.addf %add3A_640, %select_n3A_651 : vector<16xf32>
      %mul3A_653 = arith.constant 20 : i32
      %mul3A_654 = arith.muli %scan3A_96, %mul3A_653 : i32
      %add3A_655 = arith.constant 12 : i32
      %add3A_656 = arith.addi %mul3A_654, %add3A_655 : i32
      %get3A_657 = arith.index_cast %add3A_656 : i32 to index
      %get3A_658 = arith.constant 80 : index
      %get3A_659 = tpu.vector_load %arg8[%get3A_657, %get3A_658] {strides = array<i32>} : memref<640x128xf32, #tpu.memory_space<vmem>>, vector<16xf32>,
      %get3A_660 = arith.index_cast %add3A_656 : i32 to index
      %get3A_661 = arith.constant 16 : index
      %get3A_662 = tpu.vector_load %arg8[%get3A_660, %get3A_661] {strides = array<i32>} : memref<640x128xf32, #tpu.memory_space<vmem>>, vector<16xf32>,
      %select_n3A_663 = arith.select %eq3A_212, %get3A_659, %get3A_662 : vector<16xi1>, vector<16xf32>
      %add3A_664 = arith.addf %add3A_652, %select_n3A_663 : vector<16xf32>
      %mul3A_665 = arith.constant 20 : i32
      %mul3A_666 = arith.muli %scan3A_96, %mul3A_665 : i32
      %add3A_667 = arith.constant 13 : i32
      %add3A_668 = arith.addi %mul3A_666, %add3A_667 : i32
      %get3A_669 = arith.index_cast %add3A_668 : i32 to index
      %get3A_670 = arith.constant 80 : index
      %get3A_671 = tpu.vector_load %arg8[%get3A_669, %get3A_670] {strides = array<i32>} : memref<640x128xf32, #tpu.memory_space<vmem>>, vector<16xf32>,
      %get3A_672 = arith.index_cast %add3A_668 : i32 to index
      %get3A_673 = arith.constant 16 : index
      %get3A_674 = tpu.vector_load %arg8[%get3A_672, %get3A_673] {strides = array<i32>} : memref<640x128xf32, #tpu.memory_space<vmem>>, vector<16xf32>,
      %select_n3A_675 = arith.select %eq3A_221, %get3A_671, %get3A_674 : vector<16xi1>, vector<16xf32>
      %add3A_676 = arith.addf %add3A_664, %select_n3A_675 : vector<16xf32>
      %mul3A_677 = arith.constant 20 : i32
      %mul3A_678 = arith.muli %scan3A_96, %mul3A_677 : i32
      %add3A_679 = arith.constant 14 : i32
      %add3A_680 = arith.addi %mul3A_678, %add3A_679 : i32
      %get3A_681 = arith.index_cast %add3A_680 : i32 to index
      %get3A_682 = arith.constant 80 : index
      %get3A_683 = tpu.vector_load %arg8[%get3A_681, %get3A_682] {strides = array<i32>} : memref<640x128xf32, #tpu.memory_space<vmem>>, vector<16xf32>,
      %get3A_684 = arith.index_cast %add3A_680 : i32 to index
      %get3A_685 = arith.constant 16 : index
      %get3A_686 = tpu.vector_load %arg8[%get3A_684, %get3A_685] {strides = array<i32>} : memref<640x128xf32, #tpu.memory_space<vmem>>, vector<16xf32>,
      %select_n3A_687 = arith.select %eq3A_230, %get3A_683, %get3A_686 : vector<16xi1>, vector<16xf32>
      %add3A_688 = arith.addf %add3A_676, %select_n3A_687 : vector<16xf32>
      %mul3A_689 = arith.constant 20 : i32
      %mul3A_690 = arith.muli %scan3A_96, %mul3A_689 : i32
      %add3A_691 = arith.constant 15 : i32
      %add3A_692 = arith.addi %mul3A_690, %add3A_691 : i32
      %get3A_693 = arith.index_cast %add3A_692 : i32 to index
      %get3A_694 = arith.constant 80 : index
      %get3A_695 = tpu.vector_load %arg8[%get3A_693, %get3A_694] {strides = array<i32>} : memref<640x128xf32, #tpu.memory_space<vmem>>, vector<16xf32>,
      %get3A_696 = arith.index_cast %add3A_692 : i32 to index
      %get3A_697 = arith.constant 16 : index
      %get3A_698 = tpu.vector_load %arg8[%get3A_696, %get3A_697] {strides = array<i32>} : memref<640x128xf32, #tpu.memory_space<vmem>>, vector<16xf32>,
      %select_n3A_699 = arith.select %eq3A_239, %get3A_695, %get3A_698 : vector<16xi1>, vector<16xf32>
      %add3A_700 = arith.addf %add3A_688, %select_n3A_699 : vector<16xf32>
      %mul3A_701 = arith.constant 20 : i32
      %mul3A_702 = arith.muli %scan3A_96, %mul3A_701 : i32
      %add3A_703 = arith.constant 16 : i32
      %add3A_704 = arith.addi %mul3A_702, %add3A_703 : i32
      %get3A_705 = arith.index_cast %add3A_704 : i32 to index
      %get3A_706 = arith.constant 80 : index
      %get3A_707 = tpu.vector_load %arg8[%get3A_705, %get3A_706] {strides = array<i32>} : memref<640x128xf32, #tpu.memory_space<vmem>>, vector<16xf32>,
      %get3A_708 = arith.index_cast %add3A_704 : i32 to index
      %get3A_709 = arith.constant 16 : index
      %get3A_710 = tpu.vector_load %arg8[%get3A_708, %get3A_709] {strides = array<i32>} : memref<640x128xf32, #tpu.memory_space<vmem>>, vector<16xf32>,
      %select_n3A_711 = arith.select %eq3A_248, %get3A_707, %get3A_710 : vector<16xi1>, vector<16xf32>
      %add3A_712 = arith.addf %add3A_700, %select_n3A_711 : vector<16xf32>
      %mul3A_713 = arith.constant 20 : i32
      %mul3A_714 = arith.muli %scan3A_96, %mul3A_713 : i32
      %add3A_715 = arith.constant 17 : i32
      %add3A_716 = arith.addi %mul3A_714, %add3A_715 : i32
      %get3A_717 = arith.index_cast %add3A_716 : i32 to index
      %get3A_718 = arith.constant 80 : index
      %get3A_719 = tpu.vector_load %arg8[%get3A_717, %get3A_718] {strides = array<i32>} : memref<640x128xf32, #tpu.memory_space<vmem>>, vector<16xf32>,
      %get3A_720 = arith.index_cast %add3A_716 : i32 to index
      %get3A_721 = arith.constant 16 : index
      %get3A_722 = tpu.vector_load %arg8[%get3A_720, %get3A_721] {strides = array<i32>} : memref<640x128xf32, #tpu.memory_space<vmem>>, vector<16xf32>,
      %select_n3A_723 = arith.select %eq3A_257, %get3A_719, %get3A_722 : vector<16xi1>, vector<16xf32>
      %add3A_724 = arith.addf %add3A_712, %select_n3A_723 : vector<16xf32>
      %mul3A_725 = arith.constant 20 : i32
      %mul3A_726 = arith.muli %scan3A_96, %mul3A_725 : i32
      %add3A_727 = arith.constant 18 : i32
      %add3A_728 = arith.addi %mul3A_726, %add3A_727 : i32
      %get3A_729 = arith.index_cast %add3A_728 : i32 to index
      %get3A_730 = arith.constant 80 : index
      %get3A_731 = tpu.vector_load %arg8[%get3A_729, %get3A_730] {strides = array<i32>} : memref<640x128xf32, #tpu.memory_space<vmem>>, vector<16xf32>,
      %get3A_732 = arith.index_cast %add3A_728 : i32 to index
      %get3A_733 = arith.constant 16 : index
      %get3A_734 = tpu.vector_load %arg8[%get3A_732, %get3A_733] {strides = array<i32>} : memref<640x128xf32, #tpu.memory_space<vmem>>, vector<16xf32>,
      %select_n3A_735 = arith.select %eq3A_266, %get3A_731, %get3A_734 : vector<16xi1>, vector<16xf32>
      %add3A_736 = arith.addf %add3A_724, %select_n3A_735 : vector<16xf32>
      %mul3A_737 = arith.constant 20 : i32
      %mul3A_738 = arith.muli %scan3A_96, %mul3A_737 : i32
      %add3A_739 = arith.constant 19 : i32
      %add3A_740 = arith.addi %mul3A_738, %add3A_739 : i32
      %get3A_741 = arith.index_cast %add3A_740 : i32 to index
      %get3A_742 = arith.constant 80 : index
      %get3A_743 = tpu.vector_load %arg8[%get3A_741, %get3A_742] {strides = array<i32>} : memref<640x128xf32, #tpu.memory_space<vmem>>, vector<16xf32>,
      %get3A_744 = arith.index_cast %add3A_740 : i32 to index
      %get3A_745 = arith.constant 16 : index
      %get3A_746 = tpu.vector_load %arg8[%get3A_744, %get3A_745] {strides = array<i32>} : memref<640x128xf32, #tpu.memory_space<vmem>>, vector<16xf32>,
      %select_n3A_747 = arith.select %eq3A_275, %get3A_743, %get3A_746 : vector<16xi1>, vector<16xf32>
      %add3A_748 = arith.addf %add3A_736, %select_n3A_747 : vector<16xf32>
      %mul3A_749 = arith.constant 20 : i32
      %mul3A_750 = arith.muli %scan3A_96, %mul3A_749 : i32
      %get3A_751 = arith.index_cast %mul3A_750 : i32 to index
      %get3A_752 = arith.constant 96 : index
      %get3A_753 = tpu.vector_load %arg8[%get3A_751, %get3A_752] {strides = array<i32>} : memref<640x128xf32, #tpu.memory_space<vmem>>, vector<16xf32>,
      %get3A_754 = arith.index_cast %mul3A_750 : i32 to index
      %get3A_755 = arith.constant 32 : index
      %get3A_756 = tpu.vector_load %arg8[%get3A_754, %get3A_755] {strides = array<i32>} : memref<640x128xf32, #tpu.memory_space<vmem>>, vector<16xf32>,
      %select_n3A_757 = arith.select %eq3A_104, %get3A_753, %get3A_756 : vector<16xi1>, vector<16xf32>
      %mul3A_758 = arith.constant 20 : i32
      %mul3A_759 = arith.muli %scan3A_96, %mul3A_758 : i32
      %add3A_760 = arith.constant 1 : i32
      %add3A_761 = arith.addi %mul3A_759, %add3A_760 : i32
      %get3A_762 = arith.index_cast %add3A_761 : i32 to index
      %get3A_763 = arith.constant 96 : index
      %get3A_764 = tpu.vector_load %arg8[%get3A_762, %get3A_763] {strides = array<i32>} : memref<640x128xf32, #tpu.memory_space<vmem>>, vector<16xf32>,
      %get3A_765 = arith.index_cast %add3A_761 : i32 to index
      %get3A_766 = arith.constant 32 : index
      %get3A_767 = tpu.vector_load %arg8[%get3A_765, %get3A_766] {strides = array<i32>} : memref<640x128xf32, #tpu.memory_space<vmem>>, vector<16xf32>,
      %select_n3A_768 = arith.select %eq3A_113, %get3A_764, %get3A_767 : vector<16xi1>, vector<16xf32>
      %add3A_769 = arith.addf %select_n3A_757, %select_n3A_768 : vector<16xf32>
      %mul3A_770 = arith.constant 20 : i32
      %mul3A_771 = arith.muli %scan3A_96, %mul3A_770 : i32
      %add3A_772 = arith.constant 2 : i32
      %add3A_773 = arith.addi %mul3A_771, %add3A_772 : i32
      %get3A_774 = arith.index_cast %add3A_773 : i32 to index
      %get3A_775 = arith.constant 96 : index
      %get3A_776 = tpu.vector_load %arg8[%get3A_774, %get3A_775] {strides = array<i32>} : memref<640x128xf32, #tpu.memory_space<vmem>>, vector<16xf32>,
      %get3A_777 = arith.index_cast %add3A_773 : i32 to index
      %get3A_778 = arith.constant 32 : index
      %get3A_779 = tpu.vector_load %arg8[%get3A_777, %get3A_778] {strides = array<i32>} : memref<640x128xf32, #tpu.memory_space<vmem>>, vector<16xf32>,
      %select_n3A_780 = arith.select %eq3A_122, %get3A_776, %get3A_779 : vector<16xi1>, vector<16xf32>
      %add3A_781 = arith.addf %add3A_769, %select_n3A_780 : vector<16xf32>
      %mul3A_782 = arith.constant 20 : i32
      %mul3A_783 = arith.muli %scan3A_96, %mul3A_782 : i32
      %add3A_784 = arith.constant 3 : i32
      %add3A_785 = arith.addi %mul3A_783, %add3A_784 : i32
      %get3A_786 = arith.index_cast %add3A_785 : i32 to index
      %get3A_787 = arith.constant 96 : index
      %get3A_788 = tpu.vector_load %arg8[%get3A_786, %get3A_787] {strides = array<i32>} : memref<640x128xf32, #tpu.memory_space<vmem>>, vector<16xf32>,
      %get3A_789 = arith.index_cast %add3A_785 : i32 to index
      %get3A_790 = arith.constant 32 : index
      %get3A_791 = tpu.vector_load %arg8[%get3A_789, %get3A_790] {strides = array<i32>} : memref<640x128xf32, #tpu.memory_space<vmem>>, vector<16xf32>,
      %select_n3A_792 = arith.select %eq3A_131, %get3A_788, %get3A_791 : vector<16xi1>, vector<16xf32>
      %add3A_793 = arith.addf %add3A_781, %select_n3A_792 : vector<16xf32>
      %mul3A_794 = arith.constant 20 : i32
      %mul3A_795 = arith.muli %scan3A_96, %mul3A_794 : i32
      %add3A_796 = arith.constant 4 : i32
      %add3A_797 = arith.addi %mul3A_795, %add3A_796 : i32
      %get3A_798 = arith.index_cast %add3A_797 : i32 to index
      %get3A_799 = arith.constant 96 : index
      %get3A_800 = tpu.vector_load %arg8[%get3A_798, %get3A_799] {strides = array<i32>} : memref<640x128xf32, #tpu.memory_space<vmem>>, vector<16xf32>,
      %get3A_801 = arith.index_cast %add3A_797 : i32 to index
      %get3A_802 = arith.constant 32 : index
      %get3A_803 = tpu.vector_load %arg8[%get3A_801, %get3A_802] {strides = array<i32>} : memref<640x128xf32, #tpu.memory_space<vmem>>, vector<16xf32>,
      %select_n3A_804 = arith.select %eq3A_140, %get3A_800, %get3A_803 : vector<16xi1>, vector<16xf32>
      %add3A_805 = arith.addf %add3A_793, %select_n3A_804 : vector<16xf32>
      %mul3A_806 = arith.constant 20 : i32
      %mul3A_807 = arith.muli %scan3A_96, %mul3A_806 : i32
      %add3A_808 = arith.constant 5 : i32
      %add3A_809 = arith.addi %mul3A_807, %add3A_808 : i32
      %get3A_810 = arith.index_cast %add3A_809 : i32 to index
      %get3A_811 = arith.constant 96 : index
      %get3A_812 = tpu.vector_load %arg8[%get3A_810, %get3A_811] {strides = array<i32>} : memref<640x128xf32, #tpu.memory_space<vmem>>, vector<16xf32>,
      %get3A_813 = arith.index_cast %add3A_809 : i32 to index
      %get3A_814 = arith.constant 32 : index
      %get3A_815 = tpu.vector_load %arg8[%get3A_813, %get3A_814] {strides = array<i32>} : memref<640x128xf32, #tpu.memory_space<vmem>>, vector<16xf32>,
      %select_n3A_816 = arith.select %eq3A_149, %get3A_812, %get3A_815 : vector<16xi1>, vector<16xf32>
      %add3A_817 = arith.addf %add3A_805, %select_n3A_816 : vector<16xf32>
      %mul3A_818 = arith.constant 20 : i32
      %mul3A_819 = arith.muli %scan3A_96, %mul3A_818 : i32
      %add3A_820 = arith.constant 6 : i32
      %add3A_821 = arith.addi %mul3A_819, %add3A_820 : i32
      %get3A_822 = arith.index_cast %add3A_821 : i32 to index
      %get3A_823 = arith.constant 96 : index
      %get3A_824 = tpu.vector_load %arg8[%get3A_822, %get3A_823] {strides = array<i32>} : memref<640x128xf32, #tpu.memory_space<vmem>>, vector<16xf32>,
      %get3A_825 = arith.index_cast %add3A_821 : i32 to index
      %get3A_826 = arith.constant 32 : index
      %get3A_827 = tpu.vector_load %arg8[%get3A_825, %get3A_826] {strides = array<i32>} : memref<640x128xf32, #tpu.memory_space<vmem>>, vector<16xf32>,
      %select_n3A_828 = arith.select %eq3A_158, %get3A_824, %get3A_827 : vector<16xi1>, vector<16xf32>
      %add3A_829 = arith.addf %add3A_817, %select_n3A_828 : vector<16xf32>
      %mul3A_830 = arith.constant 20 : i32
      %mul3A_831 = arith.muli %scan3A_96, %mul3A_830 : i32
      %add3A_832 = arith.constant 7 : i32
      %add3A_833 = arith.addi %mul3A_831, %add3A_832 : i32
      %get3A_834 = arith.index_cast %add3A_833 : i32 to index
      %get3A_835 = arith.constant 96 : index
      %get3A_836 = tpu.vector_load %arg8[%get3A_834, %get3A_835] {strides = array<i32>} : memref<640x128xf32, #tpu.memory_space<vmem>>, vector<16xf32>,
      %get3A_837 = arith.index_cast %add3A_833 : i32 to index
      %get3A_838 = arith.constant 32 : index
      %get3A_839 = tpu.vector_load %arg8[%get3A_837, %get3A_838] {strides = array<i32>} : memref<640x128xf32, #tpu.memory_space<vmem>>, vector<16xf32>,
      %select_n3A_840 = arith.select %eq3A_167, %get3A_836, %get3A_839 : vector<16xi1>, vector<16xf32>
      %add3A_841 = arith.addf %add3A_829, %select_n3A_840 : vector<16xf32>
      %mul3A_842 = arith.constant 20 : i32
      %mul3A_843 = arith.muli %scan3A_96, %mul3A_842 : i32
      %add3A_844 = arith.constant 8 : i32
      %add3A_845 = arith.addi %mul3A_843, %add3A_844 : i32
      %get3A_846 = arith.index_cast %add3A_845 : i32 to index
      %get3A_847 = arith.constant 96 : index
      %get3A_848 = tpu.vector_load %arg8[%get3A_846, %get3A_847] {strides = array<i32>} : memref<640x128xf32, #tpu.memory_space<vmem>>, vector<16xf32>,
      %get3A_849 = arith.index_cast %add3A_845 : i32 to index
      %get3A_850 = arith.constant 32 : index
      %get3A_851 = tpu.vector_load %arg8[%get3A_849, %get3A_850] {strides = array<i32>} : memref<640x128xf32, #tpu.memory_space<vmem>>, vector<16xf32>,
      %select_n3A_852 = arith.select %eq3A_176, %get3A_848, %get3A_851 : vector<16xi1>, vector<16xf32>
      %add3A_853 = arith.addf %add3A_841, %select_n3A_852 : vector<16xf32>
      %mul3A_854 = arith.constant 20 : i32
      %mul3A_855 = arith.muli %scan3A_96, %mul3A_854 : i32
      %add3A_856 = arith.constant 9 : i32
      %add3A_857 = arith.addi %mul3A_855, %add3A_856 : i32
      %get3A_858 = arith.index_cast %add3A_857 : i32 to index
      %get3A_859 = arith.constant 96 : index
      %get3A_860 = tpu.vector_load %arg8[%get3A_858, %get3A_859] {strides = array<i32>} : memref<640x128xf32, #tpu.memory_space<vmem>>, vector<16xf32>,
      %get3A_861 = arith.index_cast %add3A_857 : i32 to index
      %get3A_862 = arith.constant 32 : index
      %get3A_863 = tpu.vector_load %arg8[%get3A_861, %get3A_862] {strides = array<i32>} : memref<640x128xf32, #tpu.memory_space<vmem>>, vector<16xf32>,
      %select_n3A_864 = arith.select %eq3A_185, %get3A_860, %get3A_863 : vector<16xi1>, vector<16xf32>
      %add3A_865 = arith.addf %add3A_853, %select_n3A_864 : vector<16xf32>
      %mul3A_866 = arith.constant 20 : i32
      %mul3A_867 = arith.muli %scan3A_96, %mul3A_866 : i32
      %add3A_868 = arith.constant 10 : i32
      %add3A_869 = arith.addi %mul3A_867, %add3A_868 : i32
      %get3A_870 = arith.index_cast %add3A_869 : i32 to index
      %get3A_871 = arith.constant 96 : index
      %get3A_872 = tpu.vector_load %arg8[%get3A_870, %get3A_871] {strides = array<i32>} : memref<640x128xf32, #tpu.memory_space<vmem>>, vector<16xf32>,
      %get3A_873 = arith.index_cast %add3A_869 : i32 to index
      %get3A_874 = arith.constant 32 : index
      %get3A_875 = tpu.vector_load %arg8[%get3A_873, %get3A_874] {strides = array<i32>} : memref<640x128xf32, #tpu.memory_space<vmem>>, vector<16xf32>,
      %select_n3A_876 = arith.select %eq3A_194, %get3A_872, %get3A_875 : vector<16xi1>, vector<16xf32>
      %add3A_877 = arith.addf %add3A_865, %select_n3A_876 : vector<16xf32>
      %mul3A_878 = arith.constant 20 : i32
      %mul3A_879 = arith.muli %scan3A_96, %mul3A_878 : i32
      %add3A_880 = arith.constant 11 : i32
      %add3A_881 = arith.addi %mul3A_879, %add3A_880 : i32
      %get3A_882 = arith.index_cast %add3A_881 : i32 to index
      %get3A_883 = arith.constant 96 : index
      %get3A_884 = tpu.vector_load %arg8[%get3A_882, %get3A_883] {strides = array<i32>} : memref<640x128xf32, #tpu.memory_space<vmem>>, vector<16xf32>,
      %get3A_885 = arith.index_cast %add3A_881 : i32 to index
      %get3A_886 = arith.constant 32 : index
      %get3A_887 = tpu.vector_load %arg8[%get3A_885, %get3A_886] {strides = array<i32>} : memref<640x128xf32, #tpu.memory_space<vmem>>, vector<16xf32>,
      %select_n3A_888 = arith.select %eq3A_203, %get3A_884, %get3A_887 : vector<16xi1>, vector<16xf32>
      %add3A_889 = arith.addf %add3A_877, %select_n3A_888 : vector<16xf32>
      %mul3A_890 = arith.constant 20 : i32
      %mul3A_891 = arith.muli %scan3A_96, %mul3A_890 : i32
      %add3A_892 = arith.constant 12 : i32
      %add3A_893 = arith.addi %mul3A_891, %add3A_892 : i32
      %get3A_894 = arith.index_cast %add3A_893 : i32 to index
      %get3A_895 = arith.constant 96 : index
      %get3A_896 = tpu.vector_load %arg8[%get3A_894, %get3A_895] {strides = array<i32>} : memref<640x128xf32, #tpu.memory_space<vmem>>, vector<16xf32>,
      %get3A_897 = arith.index_cast %add3A_893 : i32 to index
      %get3A_898 = arith.constant 32 : index
      %get3A_899 = tpu.vector_load %arg8[%get3A_897, %get3A_898] {strides = array<i32>} : memref<640x128xf32, #tpu.memory_space<vmem>>, vector<16xf32>,
      %select_n3A_900 = arith.select %eq3A_212, %get3A_896, %get3A_899 : vector<16xi1>, vector<16xf32>
      %add3A_901 = arith.addf %add3A_889, %select_n3A_900 : vector<16xf32>
      %mul3A_902 = arith.constant 20 : i32
      %mul3A_903 = arith.muli %scan3A_96, %mul3A_902 : i32
      %add3A_904 = arith.constant 13 : i32
      %add3A_905 = arith.addi %mul3A_903, %add3A_904 : i32
      %get3A_906 = arith.index_cast %add3A_905 : i32 to index
      %get3A_907 = arith.constant 96 : index
      %get3A_908 = tpu.vector_load %arg8[%get3A_906, %get3A_907] {strides = array<i32>} : memref<640x128xf32, #tpu.memory_space<vmem>>, vector<16xf32>,
      %get3A_909 = arith.index_cast %add3A_905 : i32 to index
      %get3A_910 = arith.constant 32 : index
      %get3A_911 = tpu.vector_load %arg8[%get3A_909, %get3A_910] {strides = array<i32>} : memref<640x128xf32, #tpu.memory_space<vmem>>, vector<16xf32>,
      %select_n3A_912 = arith.select %eq3A_221, %get3A_908, %get3A_911 : vector<16xi1>, vector<16xf32>
      %add3A_913 = arith.addf %add3A_901, %select_n3A_912 : vector<16xf32>
      %mul3A_914 = arith.constant 20 : i32
      %mul3A_915 = arith.muli %scan3A_96, %mul3A_914 : i32
      %add3A_916 = arith.constant 14 : i32
      %add3A_917 = arith.addi %mul3A_915, %add3A_916 : i32
      %get3A_918 = arith.index_cast %add3A_917 : i32 to index
      %get3A_919 = arith.constant 96 : index
      %get3A_920 = tpu.vector_load %arg8[%get3A_918, %get3A_919] {strides = array<i32>} : memref<640x128xf32, #tpu.memory_space<vmem>>, vector<16xf32>,
      %get3A_921 = arith.index_cast %add3A_917 : i32 to index
      %get3A_922 = arith.constant 32 : index
      %get3A_923 = tpu.vector_load %arg8[%get3A_921, %get3A_922] {strides = array<i32>} : memref<640x128xf32, #tpu.memory_space<vmem>>, vector<16xf32>,
      %select_n3A_924 = arith.select %eq3A_230, %get3A_920, %get3A_923 : vector<16xi1>, vector<16xf32>
      %add3A_925 = arith.addf %add3A_913, %select_n3A_924 : vector<16xf32>
      %mul3A_926 = arith.constant 20 : i32
      %mul3A_927 = arith.muli %scan3A_96, %mul3A_926 : i32
      %add3A_928 = arith.constant 15 : i32
      %add3A_929 = arith.addi %mul3A_927, %add3A_928 : i32
      %get3A_930 = arith.index_cast %add3A_929 : i32 to index
      %get3A_931 = arith.constant 96 : index
      %get3A_932 = tpu.vector_load %arg8[%get3A_930, %get3A_931] {strides = array<i32>} : memref<640x128xf32, #tpu.memory_space<vmem>>, vector<16xf32>,
      %get3A_933 = arith.index_cast %add3A_929 : i32 to index
      %get3A_934 = arith.constant 32 : index
      %get3A_935 = tpu.vector_load %arg8[%get3A_933, %get3A_934] {strides = array<i32>} : memref<640x128xf32, #tpu.memory_space<vmem>>, vector<16xf32>,
      %select_n3A_936 = arith.select %eq3A_239, %get3A_932, %get3A_935 : vector<16xi1>, vector<16xf32>
      %add3A_937 = arith.addf %add3A_925, %select_n3A_936 : vector<16xf32>
      %mul3A_938 = arith.constant 20 : i32
      %mul3A_939 = arith.muli %scan3A_96, %mul3A_938 : i32
      %add3A_940 = arith.constant 16 : i32
      %add3A_941 = arith.addi %mul3A_939, %add3A_940 : i32
      %get3A_942 = arith.index_cast %add3A_941 : i32 to index
      %get3A_943 = arith.constant 96 : index
      %get3A_944 = tpu.vector_load %arg8[%get3A_942, %get3A_943] {strides = array<i32>} : memref<640x128xf32, #tpu.memory_space<vmem>>, vector<16xf32>,
      %get3A_945 = arith.index_cast %add3A_941 : i32 to index
      %get3A_946 = arith.constant 32 : index
      %get3A_947 = tpu.vector_load %arg8[%get3A_945, %get3A_946] {strides = array<i32>} : memref<640x128xf32, #tpu.memory_space<vmem>>, vector<16xf32>,
      %select_n3A_948 = arith.select %eq3A_248, %get3A_944, %get3A_947 : vector<16xi1>, vector<16xf32>
      %add3A_949 = arith.addf %add3A_937, %select_n3A_948 : vector<16xf32>
      %mul3A_950 = arith.constant 20 : i32
      %mul3A_951 = arith.muli %scan3A_96, %mul3A_950 : i32
      %add3A_952 = arith.constant 17 : i32
      %add3A_953 = arith.addi %mul3A_951, %add3A_952 : i32
      %get3A_954 = arith.index_cast %add3A_953 : i32 to index
      %get3A_955 = arith.constant 96 : index
      %get3A_956 = tpu.vector_load %arg8[%get3A_954, %get3A_955] {strides = array<i32>} : memref<640x128xf32, #tpu.memory_space<vmem>>, vector<16xf32>,
      %get3A_957 = arith.index_cast %add3A_953 : i32 to index
      %get3A_958 = arith.constant 32 : index
      %get3A_959 = tpu.vector_load %arg8[%get3A_957, %get3A_958] {strides = array<i32>} : memref<640x128xf32, #tpu.memory_space<vmem>>, vector<16xf32>,
      %select_n3A_960 = arith.select %eq3A_257, %get3A_956, %get3A_959 : vector<16xi1>, vector<16xf32>
      %add3A_961 = arith.addf %add3A_949, %select_n3A_960 : vector<16xf32>
      %mul3A_962 = arith.constant 20 : i32
      %mul3A_963 = arith.muli %scan3A_96, %mul3A_962 : i32
      %add3A_964 = arith.constant 18 : i32
      %add3A_965 = arith.addi %mul3A_963, %add3A_964 : i32
      %get3A_966 = arith.index_cast %add3A_965 : i32 to index
      %get3A_967 = arith.constant 96 : index
      %get3A_968 = tpu.vector_load %arg8[%get3A_966, %get3A_967] {strides = array<i32>} : memref<640x128xf32, #tpu.memory_space<vmem>>, vector<16xf32>,
      %get3A_969 = arith.index_cast %add3A_965 : i32 to index
      %get3A_970 = arith.constant 32 : index
      %get3A_971 = tpu.vector_load %arg8[%get3A_969, %get3A_970] {strides = array<i32>} : memref<640x128xf32, #tpu.memory_space<vmem>>, vector<16xf32>,
      %select_n3A_972 = arith.select %eq3A_266, %get3A_968, %get3A_971 : vector<16xi1>, vector<16xf32>
      %add3A_973 = arith.addf %add3A_961, %select_n3A_972 : vector<16xf32>
      %mul3A_974 = arith.constant 20 : i32
      %mul3A_975 = arith.muli %scan3A_96, %mul3A_974 : i32
      %add3A_976 = arith.constant 19 : i32
      %add3A_977 = arith.addi %mul3A_975, %add3A_976 : i32
      %get3A_978 = arith.index_cast %add3A_977 : i32 to index
      %get3A_979 = arith.constant 96 : index
      %get3A_980 = tpu.vector_load %arg8[%get3A_978, %get3A_979] {strides = array<i32>} : memref<640x128xf32, #tpu.memory_space<vmem>>, vector<16xf32>,
      %get3A_981 = arith.index_cast %add3A_977 : i32 to index
      %get3A_982 = arith.constant 32 : index
      %get3A_983 = tpu.vector_load %arg8[%get3A_981, %get3A_982] {strides = array<i32>} : memref<640x128xf32, #tpu.memory_space<vmem>>, vector<16xf32>,
      %select_n3A_984 = arith.select %eq3A_275, %get3A_980, %get3A_983 : vector<16xi1>, vector<16xf32>
      %add3A_985 = arith.addf %add3A_973, %select_n3A_984 : vector<16xf32>
      %mul3A_986 = arith.constant 20 : i32
      %mul3A_987 = arith.muli %scan3A_96, %mul3A_986 : i32
      %get3A_988 = arith.index_cast %mul3A_987 : i32 to index
      %get3A_989 = arith.constant 112 : index
      %get3A_990 = tpu.vector_load %arg8[%get3A_988, %get3A_989] {strides = array<i32>} : memref<640x128xf32, #tpu.memory_space<vmem>>, vector<16xf32>,
      %get3A_991 = arith.index_cast %mul3A_987 : i32 to index
      %get3A_992 = arith.constant 48 : index
      %get3A_993 = tpu.vector_load %arg8[%get3A_991, %get3A_992] {strides = array<i32>} : memref<640x128xf32, #tpu.memory_space<vmem>>, vector<16xf32>,
      %select_n3A_994 = arith.select %eq3A_104, %get3A_990, %get3A_993 : vector<16xi1>, vector<16xf32>
      %mul3A_995 = arith.constant 20 : i32
      %mul3A_996 = arith.muli %scan3A_96, %mul3A_995 : i32
      %add3A_997 = arith.constant 1 : i32
      %add3A_998 = arith.addi %mul3A_996, %add3A_997 : i32
      %get3A_999 = arith.index_cast %add3A_998 : i32 to index
      %get3A_1000 = arith.constant 112 : index
      %get3A_1001 = tpu.vector_load %arg8[%get3A_999, %get3A_1000] {strides = array<i32>} : memref<640x128xf32, #tpu.memory_space<vmem>>, vector<16xf32>,
      %get3A_1002 = arith.index_cast %add3A_998 : i32 to index
      %get3A_1003 = arith.constant 48 : index
      %get3A_1004 = tpu.vector_load %arg8[%get3A_1002, %get3A_1003] {strides = array<i32>} : memref<640x128xf32, #tpu.memory_space<vmem>>, vector<16xf32>,
      %select_n3A_1005 = arith.select %eq3A_113, %get3A_1001, %get3A_1004 : vector<16xi1>, vector<16xf32>
      %add3A_1006 = arith.addf %select_n3A_994, %select_n3A_1005 : vector<16xf32>
      %mul3A_1007 = arith.constant 20 : i32
      %mul3A_1008 = arith.muli %scan3A_96, %mul3A_1007 : i32
      %add3A_1009 = arith.constant 2 : i32
      %add3A_1010 = arith.addi %mul3A_1008, %add3A_1009 : i32
      %get3A_1011 = arith.index_cast %add3A_1010 : i32 to index
      %get3A_1012 = arith.constant 112 : index
      %get3A_1013 = tpu.vector_load %arg8[%get3A_1011, %get3A_1012] {strides = array<i32>} : memref<640x128xf32, #tpu.memory_space<vmem>>, vector<16xf32>,
      %get3A_1014 = arith.index_cast %add3A_1010 : i32 to index
      %get3A_1015 = arith.constant 48 : index
      %get3A_1016 = tpu.vector_load %arg8[%get3A_1014, %get3A_1015] {strides = array<i32>} : memref<640x128xf32, #tpu.memory_space<vmem>>, vector<16xf32>,
      %select_n3A_1017 = arith.select %eq3A_122, %get3A_1013, %get3A_1016 : vector<16xi1>, vector<16xf32>
      %add3A_1018 = arith.addf %add3A_1006, %select_n3A_1017 : vector<16xf32>
      %mul3A_1019 = arith.constant 20 : i32
      %mul3A_1020 = arith.muli %scan3A_96, %mul3A_1019 : i32
      %add3A_1021 = arith.constant 3 : i32
      %add3A_1022 = arith.addi %mul3A_1020, %add3A_1021 : i32
      %get3A_1023 = arith.index_cast %add3A_1022 : i32 to index
      %get3A_1024 = arith.constant 112 : index
      %get3A_1025 = tpu.vector_load %arg8[%get3A_1023, %get3A_1024] {strides = array<i32>} : memref<640x128xf32, #tpu.memory_space<vmem>>, vector<16xf32>,
      %get3A_1026 = arith.index_cast %add3A_1022 : i32 to index
      %get3A_1027 = arith.constant 48 : index
      %get3A_1028 = tpu.vector_load %arg8[%get3A_1026, %get3A_1027] {strides = array<i32>} : memref<640x128xf32, #tpu.memory_space<vmem>>, vector<16xf32>,
      %select_n3A_1029 = arith.select %eq3A_131, %get3A_1025, %get3A_1028 : vector<16xi1>, vector<16xf32>
      %add3A_1030 = arith.addf %add3A_1018, %select_n3A_1029 : vector<16xf32>
      %mul3A_1031 = arith.constant 20 : i32
      %mul3A_1032 = arith.muli %scan3A_96, %mul3A_1031 : i32
      %add3A_1033 = arith.constant 4 : i32
      %add3A_1034 = arith.addi %mul3A_1032, %add3A_1033 : i32
      %get3A_1035 = arith.index_cast %add3A_1034 : i32 to index
      %get3A_1036 = arith.constant 112 : index
      %get3A_1037 = tpu.vector_load %arg8[%get3A_1035, %get3A_1036] {strides = array<i32>} : memref<640x128xf32, #tpu.memory_space<vmem>>, vector<16xf32>,
      %get3A_1038 = arith.index_cast %add3A_1034 : i32 to index
      %get3A_1039 = arith.constant 48 : index
      %get3A_1040 = tpu.vector_load %arg8[%get3A_1038, %get3A_1039] {strides = array<i32>} : memref<640x128xf32, #tpu.memory_space<vmem>>, vector<16xf32>,
      %select_n3A_1041 = arith.select %eq3A_140, %get3A_1037, %get3A_1040 : vector<16xi1>, vector<16xf32>
      %add3A_1042 = arith.addf %add3A_1030, %select_n3A_1041 : vector<16xf32>
      %mul3A_1043 = arith.constant 20 : i32
      %mul3A_1044 = arith.muli %scan3A_96, %mul3A_1043 : i32
      %add3A_1045 = arith.constant 5 : i32
      %add3A_1046 = arith.addi %mul3A_1044, %add3A_1045 : i32
      %get3A_1047 = arith.index_cast %add3A_1046 : i32 to index
      %get3A_1048 = arith.constant 112 : index
      %get3A_1049 = tpu.vector_load %arg8[%get3A_1047, %get3A_1048] {strides = array<i32>} : memref<640x128xf32, #tpu.memory_space<vmem>>, vector<16xf32>,
      %get3A_1050 = arith.index_cast %add3A_1046 : i32 to index
      %get3A_1051 = arith.constant 48 : index
      %get3A_1052 = tpu.vector_load %arg8[%get3A_1050, %get3A_1051] {strides = array<i32>} : memref<640x128xf32, #tpu.memory_space<vmem>>, vector<16xf32>,
      %select_n3A_1053 = arith.select %eq3A_149, %get3A_1049, %get3A_1052 : vector<16xi1>, vector<16xf32>
      %add3A_1054 = arith.addf %add3A_1042, %select_n3A_1053 : vector<16xf32>
      %mul3A_1055 = arith.constant 20 : i32
      %mul3A_1056 = arith.muli %scan3A_96, %mul3A_1055 : i32
      %add3A_1057 = arith.constant 6 : i32
      %add3A_1058 = arith.addi %mul3A_1056, %add3A_1057 : i32
      %get3A_1059 = arith.index_cast %add3A_1058 : i32 to index
      %get3A_1060 = arith.constant 112 : index
      %get3A_1061 = tpu.vector_load %arg8[%get3A_1059, %get3A_1060] {strides = array<i32>} : memref<640x128xf32, #tpu.memory_space<vmem>>, vector<16xf32>,
      %get3A_1062 = arith.index_cast %add3A_1058 : i32 to index
      %get3A_1063 = arith.constant 48 : index
      %get3A_1064 = tpu.vector_load %arg8[%get3A_1062, %get3A_1063] {strides = array<i32>} : memref<640x128xf32, #tpu.memory_space<vmem>>, vector<16xf32>,
      %select_n3A_1065 = arith.select %eq3A_158, %get3A_1061, %get3A_1064 : vector<16xi1>, vector<16xf32>
      %add3A_1066 = arith.addf %add3A_1054, %select_n3A_1065 : vector<16xf32>
      %mul3A_1067 = arith.constant 20 : i32
      %mul3A_1068 = arith.muli %scan3A_96, %mul3A_1067 : i32
      %add3A_1069 = arith.constant 7 : i32
      %add3A_1070 = arith.addi %mul3A_1068, %add3A_1069 : i32
      %get3A_1071 = arith.index_cast %add3A_1070 : i32 to index
      %get3A_1072 = arith.constant 112 : index
      %get3A_1073 = tpu.vector_load %arg8[%get3A_1071, %get3A_1072] {strides = array<i32>} : memref<640x128xf32, #tpu.memory_space<vmem>>, vector<16xf32>,
      %get3A_1074 = arith.index_cast %add3A_1070 : i32 to index
      %get3A_1075 = arith.constant 48 : index
      %get3A_1076 = tpu.vector_load %arg8[%get3A_1074, %get3A_1075] {strides = array<i32>} : memref<640x128xf32, #tpu.memory_space<vmem>>, vector<16xf32>,
      %select_n3A_1077 = arith.select %eq3A_167, %get3A_1073, %get3A_1076 : vector<16xi1>, vector<16xf32>
      %add3A_1078 = arith.addf %add3A_1066, %select_n3A_1077 : vector<16xf32>
      %mul3A_1079 = arith.constant 20 : i32
      %mul3A_1080 = arith.muli %scan3A_96, %mul3A_1079 : i32
      %add3A_1081 = arith.constant 8 : i32
      %add3A_1082 = arith.addi %mul3A_1080, %add3A_1081 : i32
      %get3A_1083 = arith.index_cast %add3A_1082 : i32 to index
      %get3A_1084 = arith.constant 112 : index
      %get3A_1085 = tpu.vector_load %arg8[%get3A_1083, %get3A_1084] {strides = array<i32>} : memref<640x128xf32, #tpu.memory_space<vmem>>, vector<16xf32>,
      %get3A_1086 = arith.index_cast %add3A_1082 : i32 to index
      %get3A_1087 = arith.constant 48 : index
      %get3A_1088 = tpu.vector_load %arg8[%get3A_1086, %get3A_1087] {strides = array<i32>} : memref<640x128xf32, #tpu.memory_space<vmem>>, vector<16xf32>,
      %select_n3A_1089 = arith.select %eq3A_176, %get3A_1085, %get3A_1088 : vector<16xi1>, vector<16xf32>
      %add3A_1090 = arith.addf %add3A_1078, %select_n3A_1089 : vector<16xf32>
      %mul3A_1091 = arith.constant 20 : i32
      %mul3A_1092 = arith.muli %scan3A_96, %mul3A_1091 : i32
      %add3A_1093 = arith.constant 9 : i32
      %add3A_1094 = arith.addi %mul3A_1092, %add3A_1093 : i32
      %get3A_1095 = arith.index_cast %add3A_1094 : i32 to index
      %get3A_1096 = arith.constant 112 : index
      %get3A_1097 = tpu.vector_load %arg8[%get3A_1095, %get3A_1096] {strides = array<i32>} : memref<640x128xf32, #tpu.memory_space<vmem>>, vector<16xf32>,
      %get3A_1098 = arith.index_cast %add3A_1094 : i32 to index
      %get3A_1099 = arith.constant 48 : index
      %get3A_1100 = tpu.vector_load %arg8[%get3A_1098, %get3A_1099] {strides = array<i32>} : memref<640x128xf32, #tpu.memory_space<vmem>>, vector<16xf32>,
      %select_n3A_1101 = arith.select %eq3A_185, %get3A_1097, %get3A_1100 : vector<16xi1>, vector<16xf32>
      %add3A_1102 = arith.addf %add3A_1090, %select_n3A_1101 : vector<16xf32>
      %mul3A_1103 = arith.constant 20 : i32
      %mul3A_1104 = arith.muli %scan3A_96, %mul3A_1103 : i32
      %add3A_1105 = arith.constant 10 : i32
      %add3A_1106 = arith.addi %mul3A_1104, %add3A_1105 : i32
      %get3A_1107 = arith.index_cast %add3A_1106 : i32 to index
      %get3A_1108 = arith.constant 112 : index
      %get3A_1109 = tpu.vector_load %arg8[%get3A_1107, %get3A_1108] {strides = array<i32>} : memref<640x128xf32, #tpu.memory_space<vmem>>, vector<16xf32>,
      %get3A_1110 = arith.index_cast %add3A_1106 : i32 to index
      %get3A_1111 = arith.constant 48 : index
      %get3A_1112 = tpu.vector_load %arg8[%get3A_1110, %get3A_1111] {strides = array<i32>} : memref<640x128xf32, #tpu.memory_space<vmem>>, vector<16xf32>,
      %select_n3A_1113 = arith.select %eq3A_194, %get3A_1109, %get3A_1112 : vector<16xi1>, vector<16xf32>
      %add3A_1114 = arith.addf %add3A_1102, %select_n3A_1113 : vector<16xf32>
      %mul3A_1115 = arith.constant 20 : i32
      %mul3A_1116 = arith.muli %scan3A_96, %mul3A_1115 : i32
      %add3A_1117 = arith.constant 11 : i32
      %add3A_1118 = arith.addi %mul3A_1116, %add3A_1117 : i32
      %get3A_1119 = arith.index_cast %add3A_1118 : i32 to index
      %get3A_1120 = arith.constant 112 : index
      %get3A_1121 = tpu.vector_load %arg8[%get3A_1119, %get3A_1120] {strides = array<i32>} : memref<640x128xf32, #tpu.memory_space<vmem>>, vector<16xf32>,
      %get3A_1122 = arith.index_cast %add3A_1118 : i32 to index
      %get3A_1123 = arith.constant 48 : index
      %get3A_1124 = tpu.vector_load %arg8[%get3A_1122, %get3A_1123] {strides = array<i32>} : memref<640x128xf32, #tpu.memory_space<vmem>>, vector<16xf32>,
      %select_n3A_1125 = arith.select %eq3A_203, %get3A_1121, %get3A_1124 : vector<16xi1>, vector<16xf32>
      %add3A_1126 = arith.addf %add3A_1114, %select_n3A_1125 : vector<16xf32>
      %mul3A_1127 = arith.constant 20 : i32
      %mul3A_1128 = arith.muli %scan3A_96, %mul3A_1127 : i32
      %add3A_1129 = arith.constant 12 : i32
      %add3A_1130 = arith.addi %mul3A_1128, %add3A_1129 : i32
      %get3A_1131 = arith.index_cast %add3A_1130 : i32 to index
      %get3A_1132 = arith.constant 112 : index
      %get3A_1133 = tpu.vector_load %arg8[%get3A_1131, %get3A_1132] {strides = array<i32>} : memref<640x128xf32, #tpu.memory_space<vmem>>, vector<16xf32>,
      %get3A_1134 = arith.index_cast %add3A_1130 : i32 to index
      %get3A_1135 = arith.constant 48 : index
      %get3A_1136 = tpu.vector_load %arg8[%get3A_1134, %get3A_1135] {strides = array<i32>} : memref<640x128xf32, #tpu.memory_space<vmem>>, vector<16xf32>,
      %select_n3A_1137 = arith.select %eq3A_212, %get3A_1133, %get3A_1136 : vector<16xi1>, vector<16xf32>
      %add3A_1138 = arith.addf %add3A_1126, %select_n3A_1137 : vector<16xf32>
      %mul3A_1139 = arith.constant 20 : i32
      %mul3A_1140 = arith.muli %scan3A_96, %mul3A_1139 : i32
      %add3A_1141 = arith.constant 13 : i32
      %add3A_1142 = arith.addi %mul3A_1140, %add3A_1141 : i32
      %get3A_1143 = arith.index_cast %add3A_1142 : i32 to index
      %get3A_1144 = arith.constant 112 : index
      %get3A_1145 = tpu.vector_load %arg8[%get3A_1143, %get3A_1144] {strides = array<i32>} : memref<640x128xf32, #tpu.memory_space<vmem>>, vector<16xf32>,
      %get3A_1146 = arith.index_cast %add3A_1142 : i32 to index
      %get3A_1147 = arith.constant 48 : index
      %get3A_1148 = tpu.vector_load %arg8[%get3A_1146, %get3A_1147] {strides = array<i32>} : memref<640x128xf32, #tpu.memory_space<vmem>>, vector<16xf32>,
      %select_n3A_1149 = arith.select %eq3A_221, %get3A_1145, %get3A_1148 : vector<16xi1>, vector<16xf32>
      %add3A_1150 = arith.addf %add3A_1138, %select_n3A_1149 : vector<16xf32>
      %mul3A_1151 = arith.constant 20 : i32
      %mul3A_1152 = arith.muli %scan3A_96, %mul3A_1151 : i32
      %add3A_1153 = arith.constant 14 : i32
      %add3A_1154 = arith.addi %mul3A_1152, %add3A_1153 : i32
      %get3A_1155 = arith.index_cast %add3A_1154 : i32 to index
      %get3A_1156 = arith.constant 112 : index
      %get3A_1157 = tpu.vector_load %arg8[%get3A_1155, %get3A_1156] {strides = array<i32>} : memref<640x128xf32, #tpu.memory_space<vmem>>, vector<16xf32>,
      %get3A_1158 = arith.index_cast %add3A_1154 : i32 to index
      %get3A_1159 = arith.constant 48 : index
      %get3A_1160 = tpu.vector_load %arg8[%get3A_1158, %get3A_1159] {strides = array<i32>} : memref<640x128xf32, #tpu.memory_space<vmem>>, vector<16xf32>,
      %select_n3A_1161 = arith.select %eq3A_230, %get3A_1157, %get3A_1160 : vector<16xi1>, vector<16xf32>
      %add3A_1162 = arith.addf %add3A_1150, %select_n3A_1161 : vector<16xf32>
      %mul3A_1163 = arith.constant 20 : i32
      %mul3A_1164 = arith.muli %scan3A_96, %mul3A_1163 : i32
      %add3A_1165 = arith.constant 15 : i32
      %add3A_1166 = arith.addi %mul3A_1164, %add3A_1165 : i32
      %get3A_1167 = arith.index_cast %add3A_1166 : i32 to index
      %get3A_1168 = arith.constant 112 : index
      %get3A_1169 = tpu.vector_load %arg8[%get3A_1167, %get3A_1168] {strides = array<i32>} : memref<640x128xf32, #tpu.memory_space<vmem>>, vector<16xf32>,
      %get3A_1170 = arith.index_cast %add3A_1166 : i32 to index
      %get3A_1171 = arith.constant 48 : index
      %get3A_1172 = tpu.vector_load %arg8[%get3A_1170, %get3A_1171] {strides = array<i32>} : memref<640x128xf32, #tpu.memory_space<vmem>>, vector<16xf32>,
      %select_n3A_1173 = arith.select %eq3A_239, %get3A_1169, %get3A_1172 : vector<16xi1>, vector<16xf32>
      %add3A_1174 = arith.addf %add3A_1162, %select_n3A_1173 : vector<16xf32>
      %mul3A_1175 = arith.constant 20 : i32
      %mul3A_1176 = arith.muli %scan3A_96, %mul3A_1175 : i32
      %add3A_1177 = arith.constant 16 : i32
      %add3A_1178 = arith.addi %mul3A_1176, %add3A_1177 : i32
      %get3A_1179 = arith.index_cast %add3A_1178 : i32 to index
      %get3A_1180 = arith.constant 112 : index
      %get3A_1181 = tpu.vector_load %arg8[%get3A_1179, %get3A_1180] {strides = array<i32>} : memref<640x128xf32, #tpu.memory_space<vmem>>, vector<16xf32>,
      %get3A_1182 = arith.index_cast %add3A_1178 : i32 to index
      %get3A_1183 = arith.constant 48 : index
      %get3A_1184 = tpu.vector_load %arg8[%get3A_1182, %get3A_1183] {strides = array<i32>} : memref<640x128xf32, #tpu.memory_space<vmem>>, vector<16xf32>,
      %select_n3A_1185 = arith.select %eq3A_248, %get3A_1181, %get3A_1184 : vector<16xi1>, vector<16xf32>
      %add3A_1186 = arith.addf %add3A_1174, %select_n3A_1185 : vector<16xf32>
      %mul3A_1187 = arith.constant 20 : i32
      %mul3A_1188 = arith.muli %scan3A_96, %mul3A_1187 : i32
      %add3A_1189 = arith.constant 17 : i32
      %add3A_1190 = arith.addi %mul3A_1188, %add3A_1189 : i32
      %get3A_1191 = arith.index_cast %add3A_1190 : i32 to index
      %get3A_1192 = arith.constant 112 : index
      %get3A_1193 = tpu.vector_load %arg8[%get3A_1191, %get3A_1192] {strides = array<i32>} : memref<640x128xf32, #tpu.memory_space<vmem>>, vector<16xf32>,
      %get3A_1194 = arith.index_cast %add3A_1190 : i32 to index
      %get3A_1195 = arith.constant 48 : index
      %get3A_1196 = tpu.vector_load %arg8[%get3A_1194, %get3A_1195] {strides = array<i32>} : memref<640x128xf32, #tpu.memory_space<vmem>>, vector<16xf32>,
      %select_n3A_1197 = arith.select %eq3A_257, %get3A_1193, %get3A_1196 : vector<16xi1>, vector<16xf32>
      %add3A_1198 = arith.addf %add3A_1186, %select_n3A_1197 : vector<16xf32>
      %mul3A_1199 = arith.constant 20 : i32
      %mul3A_1200 = arith.muli %scan3A_96, %mul3A_1199 : i32
      %add3A_1201 = arith.constant 18 : i32
      %add3A_1202 = arith.addi %mul3A_1200, %add3A_1201 : i32
      %get3A_1203 = arith.index_cast %add3A_1202 : i32 to index
      %get3A_1204 = arith.constant 112 : index
      %get3A_1205 = tpu.vector_load %arg8[%get3A_1203, %get3A_1204] {strides = array<i32>} : memref<640x128xf32, #tpu.memory_space<vmem>>, vector<16xf32>,
      %get3A_1206 = arith.index_cast %add3A_1202 : i32 to index
      %get3A_1207 = arith.constant 48 : index
      %get3A_1208 = tpu.vector_load %arg8[%get3A_1206, %get3A_1207] {strides = array<i32>} : memref<640x128xf32, #tpu.memory_space<vmem>>, vector<16xf32>,
      %select_n3A_1209 = arith.select %eq3A_266, %get3A_1205, %get3A_1208 : vector<16xi1>, vector<16xf32>
      %add3A_1210 = arith.addf %add3A_1198, %select_n3A_1209 : vector<16xf32>
      %mul3A_1211 = arith.constant 20 : i32
      %mul3A_1212 = arith.muli %scan3A_96, %mul3A_1211 : i32
      %add3A_1213 = arith.constant 19 : i32
      %add3A_1214 = arith.addi %mul3A_1212, %add3A_1213 : i32
      %get3A_1215 = arith.index_cast %add3A_1214 : i32 to index
      %get3A_1216 = arith.constant 112 : index
      %get3A_1217 = tpu.vector_load %arg8[%get3A_1215, %get3A_1216] {strides = array<i32>} : memref<640x128xf32, #tpu.memory_space<vmem>>, vector<16xf32>,
      %get3A_1218 = arith.index_cast %add3A_1214 : i32 to index
      %get3A_1219 = arith.constant 48 : index
      %get3A_1220 = tpu.vector_load %arg8[%get3A_1218, %get3A_1219] {strides = array<i32>} : memref<640x128xf32, #tpu.memory_space<vmem>>, vector<16xf32>,
      %select_n3A_1221 = arith.select %eq3A_275, %get3A_1217, %get3A_1220 : vector<16xi1>, vector<16xf32>
      %add3A_1222 = arith.addf %add3A_1210, %select_n3A_1221 : vector<16xf32>
      %swap3A = arith.index_cast %scan3A_96 : i32 to index
      %swap3A_1223 = arith.constant 0 : index
      %swap3A_1224 = tpu.vector_load %arg9[%swap3A, %swap3A_1223] {strides = array<i32>} : memref<32x128xf32, #tpu.memory_space<vmem>>, vector<16xf32>,
      tpu.vector_store %arg9[%swap3A, %swap3A_1223], %add3A_511 {strides = array<i32>} : memref<32x128xf32, #tpu.memory_space<vmem>>, vector<16xf32>,
      %swap3A_1225 = arith.index_cast %scan3A_96 : i32 to index
      %swap3A_1226 = arith.constant 16 : index
      %swap3A_1227 = tpu.vector_load %arg9[%swap3A_1225, %swap3A_1226] {strides = array<i32>} : memref<32x128xf32, #tpu.memory_space<vmem>>, vector<16xf32>,
      tpu.vector_store %arg9[%swap3A_1225, %swap3A_1226], %add3A_748 {strides = array<i32>} : memref<32x128xf32, #tpu.memory_space<vmem>>, vector<16xf32>,
      %swap3A_1228 = arith.index_cast %scan3A_96 : i32 to index
      %swap3A_1229 = arith.constant 32 : index
      %swap3A_1230 = tpu.vector_load %arg9[%swap3A_1228, %swap3A_1229] {strides = array<i32>} : memref<32x128xf32, #tpu.memory_space<vmem>>, vector<16xf32>,
      tpu.vector_store %arg9[%swap3A_1228, %swap3A_1229], %add3A_985 {strides = array<i32>} : memref<32x128xf32, #tpu.memory_space<vmem>>, vector<16xf32>,
      %swap3A_1231 = arith.index_cast %scan3A_96 : i32 to index
      %swap3A_1232 = arith.constant 48 : index
      %swap3A_1233 = tpu.vector_load %arg9[%swap3A_1231, %swap3A_1232] {strides = array<i32>} : memref<32x128xf32, #tpu.memory_space<vmem>>, vector<16xf32>,
      tpu.vector_store %arg9[%swap3A_1231, %swap3A_1232], %add3A_1222 {strides = array<i32>} : memref<32x128xf32, #tpu.memory_space<vmem>>, vector<16xf32>,
      %swap3A_1234 = arith.index_cast %scan3A_96 : i32 to index
      %swap3A_1235 = arith.constant 64 : index
      %swap3A_1236 = tpu.vector_load %arg9[%swap3A_1234, %swap3A_1235] {strides = array<i32>} : memref<32x128xf32, #tpu.memory_space<vmem>>, vector<16xf32>,
      tpu.vector_store %arg9[%swap3A_1234, %swap3A_1235], %select_n3A {strides = array<i32>} : memref<32x128xf32, #tpu.memory_space<vmem>>, vector<16xf32>,
      %swap3A_1237 = arith.index_cast %scan3A_96 : i32 to index
      %swap3A_1238 = arith.constant 80 : index
      %swap3A_1239 = tpu.vector_load %arg9[%swap3A_1237, %swap3A_1238] {strides = array<i32>} : memref<32x128xf32, #tpu.memory_space<vmem>>, vector<16xf32>,
      tpu.vector_store %arg9[%swap3A_1237, %swap3A_1238], %broadcast_in_dim3A_90 {strides = array<i32>} : memref<32x128xf32, #tpu.memory_space<vmem>>, vector<16xf32>,
      %swap3A_1240 = arith.index_cast %scan3A_96 : i32 to index
      %swap3A_1241 = arith.constant 96 : index
      %swap3A_1242 = tpu.vector_load %arg9[%swap3A_1240, %swap3A_1241] {strides = array<i32>} : memref<32x128xf32, #tpu.memory_space<vmem>>, vector<16xf32>,
      tpu.vector_store %arg9[%swap3A_1240, %swap3A_1241], %broadcast_in_dim3A_90 {strides = array<i32>} : memref<32x128xf32, #tpu.memory_space<vmem>>, vector<16xf32>,
      %swap3A_1243 = arith.index_cast %scan3A_96 : i32 to index
      %swap3A_1244 = arith.constant 112 : index
      %swap3A_1245 = tpu.vector_load %arg9[%swap3A_1243, %swap3A_1244] {strides = array<i32>} : memref<32x128xf32, #tpu.memory_space<vmem>>, vector<16xf32>,
      tpu.vector_store %arg9[%swap3A_1243, %swap3A_1244], %broadcast_in_dim3A_90 {strides = array<i32>} : memref<32x128xf32, #tpu.memory_space<vmem>>, vector<16xf32>,
    }
    %scan3A_95 = arith.constant 32 : i32
    "tpu.region"() ({
      %run_scoped3A = tpu.sem_alloc : memref<!tpu.dma_semaphore, #tpu.memory_space<semaphore_mem>>
      %dma_start3A_96 = arith.constant 0 : i32
      %dma_start3A_97 = tpu.memref_slice %arg5[%mul3A_2, %dma_start3A_96] : memref<1024x128xf32, #tpu.memory_space<hbm>> -> memref<32x128xf32, #tpu.memory_space<hbm>>
      %dma_start3A_98 = arith.constant 0 : i32
      %dma_start3A_99 = tpu.memref_slice %arg5[%mul3A_2, %dma_start3A_98] : memref<1024x128xf32, #tpu.memory_space<hbm>> -> memref<32x128xf32, #tpu.memory_space<hbm>>
      tpu.enqueue_dma source(%arg9 : memref<32x128xf32, #tpu.memory_space<vmem>>) target(%dma_start3A_99 : memref<32x128xf32, #tpu.memory_space<hbm>>) target_semaphore(%run_scoped3A : memref<!tpu.dma_semaphore, #tpu.memory_space<semaphore_mem>>)
      %dma_wait3A_100 = arith.constant 0 : i32
      %dma_wait3A_101 = tpu.memref_slice %arg5[%mul3A_2, %dma_wait3A_100] : memref<1024x128xf32, #tpu.memory_space<hbm>> -> memref<32x128xf32, #tpu.memory_space<hbm>>
      %dma_wait3A_102 = arith.constant 0 : i32
      %dma_wait3A_103 = tpu.memref_slice %arg5[%mul3A_2, %dma_wait3A_102] : memref<1024x128xf32, #tpu.memory_space<hbm>> -> memref<32x128xf32, #tpu.memory_space<hbm>>
      tpu.wait_dma2 semaphore(%run_scoped3A : memref<!tpu.dma_semaphore, #tpu.memory_space<semaphore_mem>>) src(%arg9 : memref<32x128xf32, #tpu.memory_space<vmem>>) dst(%dma_wait3A_103 : memref<32x128xf32, #tpu.memory_space<hbm>>)
      tpu.yield
    }) : () -> ()
    return
  }
}

module attributes {stable_mosaic.version = 14 : i64} {
  func.func @_prepw_body(%arg0: i32, %arg1: memref<1024x128xf32, #tpu.memory_space<vmem>>, %arg2: memref<1024x128xbf16, #tpu.memory_space<vmem>>) attributes {dimension_semantics = [#tpu.dimension_semantics<arbitrary>], iteration_bounds = array<i64: 49>, scalar_prefetch = 0 : i64, scratch_operands = 0 : i64, tpu.core_type = #tpu.core_type<tc>, window_params = [{transform_indices = @transform_0, window_bounds = array<i64: 1024, 128>}, {transform_indices = @transform_1, window_bounds = array<i64: 1024, 128>}]} {
    %get3A = arith.constant 0 : index
    %get3A_0 = arith.constant 0 : index
    %get3A_1 = vector.load %arg1[%get3A, %get3A_0] : memref<1024x128xf32, #tpu.memory_space<vmem>>, vector<1024x128xf32>
    %eq3A = arith.constant 48 : i32
    %eq3A_2 = arith.cmpi eq, %arg0, %eq3A : i32
    %convert_element_type3A = arith.extui %eq3A_2 : i1 to i32
    %cond3A = arith.constant 0 : i32
    %cond3A_3 = arith.cmpi ne, %convert_element_type3A, %cond3A : i32
    %cond3A_4 = scf.if %cond3A_3 -> (vector<1024x128xf32>) {
      %mul3A = arith.constant 1024 : i32
      %mul3A_8 = arith.muli %arg0, %mul3A : i32
      %iota3A = tpu.iota {dimensions = array<i32: 0>} : vector<1024x1xi32>
      %add3A = vector.broadcast %mul3A_8 : i32 to vector<1024x1xi32>
      %add3A_9 = arith.addi %add3A, %iota3A : vector<1024x1xi32>
      %lt3A = arith.constant 50000 : i32
      %lt3A_10 = vector.broadcast %lt3A : i32 to vector<1024x1xi32>
      %lt3A_11 = arith.cmpi slt, %add3A_9, %lt3A_10 : vector<1024x1xi32>
      %jit3A = arith.constant 0.000000e+00 : f32
      %broadcast_in_dim3A = vector.shape_cast %lt3A_11 : vector<1024x1xi1> to vector<1024x1xi1>
      %broadcast_in_dim3A_12 = vector.broadcast %broadcast_in_dim3A : vector<1024x1xi1> to vector<1024x128xi1>
      %broadcast_in_dim3A_13 = vector.broadcast %jit3A : f32 to vector<1024x128xf32>
      %select_n3A = arith.select %broadcast_in_dim3A_12, %get3A_1, %broadcast_in_dim3A_13 : vector<1024x128xi1>, vector<1024x128xf32>
      scf.yield %select_n3A : vector<1024x128xf32>
    } else {
      scf.yield %get3A_1 : vector<1024x128xf32>
    }
    %convert_element_type3A_5 = arith.truncf %cond3A_4 : vector<1024x128xf32> to vector<1024x128xbf16>
    %swap3A = arith.constant 0 : index
    %swap3A_6 = arith.constant 0 : index
    %swap3A_7 = vector.load %arg2[%swap3A, %swap3A_6] : memref<1024x128xbf16, #tpu.memory_space<vmem>>, vector<1024x128xbf16>
    tpu.vector_store %arg2[%swap3A, %swap3A_6], %convert_element_type3A_5 {strides = array<i32>} : memref<1024x128xbf16, #tpu.memory_space<vmem>>, vector<1024x128xbf16>,
    return
  }
  func.func @transform_0(%arg0: i32) -> (i32, i32) {
    %c0_i32 = arith.constant 0 : i32
    %c0_i32_0 = arith.constant 0 : i32
    return %arg0, %c0_i32 : i32, i32
  }
  func.func @transform_1(%arg0: i32) -> (i32, i32) {
    %c0_i32 = arith.constant 0 : i32
    %c0_i32_0 = arith.constant 0 : i32
    return %arg0, %c0_i32 : i32, i32
  }
}

module attributes {stable_mosaic.version = 14 : i64} {
  func.func @_lse_body(%arg0: i32, %arg1: memref<1024x128xf32, #tpu.memory_space<vmem>>, %arg2: memref<1024x128xbf16, #tpu.memory_space<vmem>>, %arg3: memref<1x1024xbf16, #tpu.memory_space<vmem>>, %arg4: memref<1x1024xbf16, #tpu.memory_space<vmem>>, %arg5: memref<1024x1xf32, #tpu.memory_space<vmem>>, %arg6: memref<1024x64xbf16, #tpu.memory_space<vmem>>, %arg7: memref<1024x1xf32, #tpu.memory_space<vmem>>, %arg8: memref<1024x1xf32, #tpu.memory_space<vmem>>) attributes {dimension_semantics = [#tpu.dimension_semantics<arbitrary>], iteration_bounds = array<i64: 49>, scalar_prefetch = 0 : i64, scratch_operands = 3 : i64, tpu.core_type = #tpu.core_type<tc>, window_params = [{pipeline_mode = #tpu.pipeline_mode<synchronous>, transform_indices = @transform_0, window_bounds = array<i64: 1024, 128>}, {transform_indices = @transform_1, window_bounds = array<i64: 1024, 128>}, {transform_indices = @transform_2, window_bounds = array<i64: 1, 1024>}, {transform_indices = @transform_3, window_bounds = array<i64: 1, 1024>}, {pipeline_mode = #tpu.pipeline_mode<synchronous>, transform_indices = @transform_4, window_bounds = array<i64: 1024, 1>}]} {
    %eq3A = arith.constant 0 : i32
    %eq3A_0 = arith.cmpi eq, %arg0, %eq3A : i32
    %convert_element_type3A = arith.extui %eq3A_0 : i1 to i32
    %cond3A = arith.constant 0 : i32
    %cond3A_1 = arith.cmpi ne, %convert_element_type3A, %cond3A : i32
    scf.if %cond3A_1 {
      %get3A_62 = arith.constant 0 : index
      %get3A_63 = arith.constant 0 : index
      %get3A_64 = vector.load %arg1[%get3A_62, %get3A_63] : memref<1024x128xf32, #tpu.memory_space<vmem>>, vector<1024x64xf32>
      %convert_element_type3A_65 = arith.truncf %get3A_64 : vector<1024x64xf32> to vector<1024x64xbf16>
      %swap3A_66 = arith.constant 0 : index
      %swap3A_67 = arith.constant 0 : index
      %swap3A_68 = vector.load %arg6[%swap3A_66, %swap3A_67] : memref<1024x64xbf16, #tpu.memory_space<vmem>>, vector<1024x64xbf16>
      tpu.vector_store %arg6[%swap3A_66, %swap3A_67], %convert_element_type3A_65 {strides = array<i32>} : memref<1024x64xbf16, #tpu.memory_space<vmem>>, vector<1024x64xbf16>,
      %broadcast_in_dim3A_69 = arith.constant -1.000000e+30 : f32
      %broadcast_in_dim3A_70 = vector.broadcast %broadcast_in_dim3A_69 : f32 to vector<1024x1xf32>
      %swap3A_71 = arith.constant 0 : index
      %swap3A_72 = arith.constant 0 : index
      %swap3A_73 = vector.load %arg7[%swap3A_71, %swap3A_72] : memref<1024x1xf32, #tpu.memory_space<vmem>>, vector<1024x1xf32>
      tpu.vector_store %arg7[%swap3A_71, %swap3A_72], %broadcast_in_dim3A_70 {strides = array<i32>} : memref<1024x1xf32, #tpu.memory_space<vmem>>, vector<1024x1xf32>,
      %broadcast_in_dim3A_74 = arith.constant 0.000000e+00 : f32
      %broadcast_in_dim3A_75 = vector.broadcast %broadcast_in_dim3A_74 : f32 to vector<1024x1xf32>
      %swap3A_76 = arith.constant 0 : index
      %swap3A_77 = arith.constant 0 : index
      %swap3A_78 = vector.load %arg8[%swap3A_76, %swap3A_77] : memref<1024x1xf32, #tpu.memory_space<vmem>>, vector<1024x1xf32>
      tpu.vector_store %arg8[%swap3A_76, %swap3A_77], %broadcast_in_dim3A_75 {strides = array<i32>} : memref<1024x1xf32, #tpu.memory_space<vmem>>, vector<1024x1xf32>,
    } else {
    }
    %get3A = arith.constant 0 : index
    %get3A_2 = arith.constant 0 : index
    %get3A_3 = vector.load %arg6[%get3A, %get3A_2] : memref<1024x64xbf16, #tpu.memory_space<vmem>>, vector<1024x64xbf16>
    %get3A_4 = arith.constant 0 : index
    %get3A_5 = arith.constant 0 : index
    %get3A_6 = vector.load %arg2[%get3A_4, %get3A_5] : memref<1024x128xbf16, #tpu.memory_space<vmem>>, vector<1024x64xbf16>
    %dot_general3A = arith.constant dense<0.000000e+00> : vector<1024x1024xf32>
    %dot_general3A_7 = tpu.matmul %get3A_3, %get3A_6, %dot_general3A {dimension_numbers = #tpu.dot_dimension_numbers<[1], [1], [0], [0], [0, 0, 1, 0], [], []>, transpose_lhs_hint = false} : vector<1024x64xbf16>, vector<1024x64xbf16>, vector<1024x1024xf32> -> vector<1024x1024xf32>
    %convert_element_type3A_8 = arith.truncf %dot_general3A_7 : vector<1024x1024xf32> to vector<1024x1024xbf16>
    %get3A_9 = arith.constant 0 : index
    %get3A_10 = arith.constant 64 : index
    %get3A_11 = vector.load %arg2[%get3A_9, %get3A_10] : memref<1024x128xbf16, #tpu.memory_space<vmem>>, vector<1024x64xbf16>
    %dot_general3A_12 = arith.constant dense<0.000000e+00> : vector<1024x1024xf32>
    %dot_general3A_13 = tpu.matmul %get3A_3, %get3A_11, %dot_general3A_12 {dimension_numbers = #tpu.dot_dimension_numbers<[1], [1], [0], [0], [0, 0, 1, 0], [], []>, transpose_lhs_hint = false} : vector<1024x64xbf16>, vector<1024x64xbf16>, vector<1024x1024xf32> -> vector<1024x1024xf32>
    %convert_element_type3A_14 = arith.truncf %dot_general3A_13 : vector<1024x1024xf32> to vector<1024x1024xbf16>
    %get3A_15 = arith.constant 0 : index
    %get3A_16 = arith.constant 0 : index
    %get3A_17 = vector.load %arg3[%get3A_15, %get3A_16] : memref<1x1024xbf16, #tpu.memory_space<vmem>>, vector<1x1024xbf16>
    %add3A = vector.broadcast %get3A_17 : vector<1x1024xbf16> to vector<1024x1024xbf16>
    %add3A_18 = arith.addf %convert_element_type3A_8, %add3A : vector<1024x1024xbf16>
    %get3A_19 = arith.constant 0 : index
    %get3A_20 = arith.constant 0 : index
    %get3A_21 = vector.load %arg4[%get3A_19, %get3A_20] : memref<1x1024xbf16, #tpu.memory_space<vmem>>, vector<1x1024xbf16>
    %add3A_22 = vector.broadcast %get3A_21 : vector<1x1024xbf16> to vector<1024x1024xbf16>
    %add3A_23 = arith.addf %convert_element_type3A_14, %add3A_22 : vector<1024x1024xbf16>
    %reduce_max3A = arith.constant dense<0xFF80> : vector<1024xbf16>
    %reduce_max3A_24 = vector.multi_reduction <maximumf>, %add3A_18, %reduce_max3A [1] : vector<1024x1024xbf16> to vector<1024xbf16>
    %broadcast_in_dim3A = vector.shape_cast %reduce_max3A_24 : vector<1024xbf16> to vector<1024x1xbf16>
    %reduce_max3A_25 = arith.constant dense<0xFF80> : vector<1024xbf16>
    %reduce_max3A_26 = vector.multi_reduction <maximumf>, %add3A_23, %reduce_max3A_25 [1] : vector<1024x1024xbf16> to vector<1024xbf16>
    %broadcast_in_dim3A_27 = vector.shape_cast %reduce_max3A_26 : vector<1024xbf16> to vector<1024x1xbf16>
    %max3A = arith.maximumf %broadcast_in_dim3A, %broadcast_in_dim3A_27 : vector<1024x1xbf16>
    %convert_element_type3A_28 = arith.extf %max3A : vector<1024x1xbf16> to vector<1024x1xf32>
    %get3A_29 = arith.constant 0 : index
    %get3A_30 = arith.constant 0 : index
    %get3A_31 = vector.load %arg7[%get3A_29, %get3A_30] : memref<1024x1xf32, #tpu.memory_space<vmem>>, vector<1024x1xf32>
    %max3A_32 = arith.maximumf %get3A_31, %convert_element_type3A_28 : vector<1024x1xf32>
    %convert_element_type3A_33 = arith.truncf %max3A_32 : vector<1024x1xf32> to vector<1024x1xbf16>
    %sub3A = vector.broadcast %convert_element_type3A_33 : vector<1024x1xbf16> to vector<1024x1024xbf16>
    %sub3A_34 = arith.subf %add3A_18, %sub3A : vector<1024x1024xbf16>
    %exp3A = math.exp %sub3A_34 : vector<1024x1024xbf16>
    %convert_element_type3A_35 = arith.extf %exp3A : vector<1024x1024xbf16> to vector<1024x1024xf32>
    %reduce_sum3A = arith.constant dense<0.000000e+00> : vector<1024xf32>
    %reduce_sum3A_36 = vector.multi_reduction <add>, %convert_element_type3A_35, %reduce_sum3A [1] : vector<1024x1024xf32> to vector<1024xf32>
    %broadcast_in_dim3A_37 = vector.shape_cast %reduce_sum3A_36 : vector<1024xf32> to vector<1024x1xf32>
    %sub3A_38 = vector.broadcast %convert_element_type3A_33 : vector<1024x1xbf16> to vector<1024x1024xbf16>
    %sub3A_39 = arith.subf %add3A_23, %sub3A_38 : vector<1024x1024xbf16>
    %exp3A_40 = math.exp %sub3A_39 : vector<1024x1024xbf16>
    %convert_element_type3A_41 = arith.extf %exp3A_40 : vector<1024x1024xbf16> to vector<1024x1024xf32>
    %reduce_sum3A_42 = arith.constant dense<0.000000e+00> : vector<1024xf32>
    %reduce_sum3A_43 = vector.multi_reduction <add>, %convert_element_type3A_41, %reduce_sum3A_42 [1] : vector<1024x1024xf32> to vector<1024xf32>
    %broadcast_in_dim3A_44 = vector.shape_cast %reduce_sum3A_43 : vector<1024xf32> to vector<1024x1xf32>
    %add3A_45 = arith.addf %broadcast_in_dim3A_37, %broadcast_in_dim3A_44 : vector<1024x1xf32>
    %get3A_46 = arith.constant 0 : index
    %get3A_47 = arith.constant 0 : index
    %get3A_48 = vector.load %arg8[%get3A_46, %get3A_47] : memref<1024x1xf32, #tpu.memory_space<vmem>>, vector<1024x1xf32>
    %sub3A_49 = arith.subf %get3A_31, %max3A_32 : vector<1024x1xf32>
    %exp3A_50 = math.exp %sub3A_49 : vector<1024x1xf32>
    %mul3A = arith.mulf %get3A_48, %exp3A_50 : vector<1024x1xf32>
    %add3A_51 = arith.addf %mul3A, %add3A_45 : vector<1024x1xf32>
    %swap3A = arith.constant 0 : index
    %swap3A_52 = arith.constant 0 : index
    %swap3A_53 = vector.load %arg8[%swap3A, %swap3A_52] : memref<1024x1xf32, #tpu.memory_space<vmem>>, vector<1024x1xf32>
    tpu.vector_store %arg8[%swap3A, %swap3A_52], %add3A_51 {strides = array<i32>} : memref<1024x1xf32, #tpu.memory_space<vmem>>, vector<1024x1xf32>,
    %swap3A_54 = arith.constant 0 : index
    %swap3A_55 = arith.constant 0 : index
    %swap3A_56 = vector.load %arg7[%swap3A_54, %swap3A_55] : memref<1024x1xf32, #tpu.memory_space<vmem>>, vector<1024x1xf32>
    tpu.vector_store %arg7[%swap3A_54, %swap3A_55], %max3A_32 {strides = array<i32>} : memref<1024x1xf32, #tpu.memory_space<vmem>>, vector<1024x1xf32>,
    %eq3A_57 = arith.constant 48 : i32
    %eq3A_58 = arith.cmpi eq, %arg0, %eq3A_57 : i32
    %convert_element_type3A_59 = arith.extui %eq3A_58 : i1 to i32
    %cond3A_60 = arith.constant 0 : i32
    %cond3A_61 = arith.cmpi ne, %convert_element_type3A_59, %cond3A_60 : i32
    scf.if %cond3A_61 {
      %get3A_62 = arith.constant 0 : index
      %get3A_63 = arith.constant 0 : index
      %get3A_64 = vector.load %arg7[%get3A_62, %get3A_63] : memref<1024x1xf32, #tpu.memory_space<vmem>>, vector<1024x1xf32>
      %get3A_65 = arith.constant 0 : index
      %get3A_66 = arith.constant 0 : index
      %get3A_67 = vector.load %arg8[%get3A_65, %get3A_66] : memref<1024x1xf32, #tpu.memory_space<vmem>>, vector<1024x1xf32>
      %log3A = math.log %get3A_67 : vector<1024x1xf32>
      %add3A_68 = arith.addf %get3A_64, %log3A : vector<1024x1xf32>
      %swap3A_69 = arith.constant 0 : index
      %swap3A_70 = arith.constant 0 : index
      %swap3A_71 = vector.load %arg5[%swap3A_69, %swap3A_70] : memref<1024x1xf32, #tpu.memory_space<vmem>>, vector<1024x1xf32>
      tpu.vector_store %arg5[%swap3A_69, %swap3A_70], %add3A_68 {strides = array<i32>} : memref<1024x1xf32, #tpu.memory_space<vmem>>, vector<1024x1xf32>,
    } else {
    }
    return
  }
  func.func @transform_0(%arg0: i32) -> (i32, i32) {
    %c0_i32 = arith.constant 0 : i32
    %c0_i32_0 = arith.constant 0 : i32
    %c0_i32_1 = arith.constant 0 : i32
    return %c0_i32, %c0_i32_0 : i32, i32
  }
  func.func @transform_1(%arg0: i32) -> (i32, i32) {
    %c0_i32 = arith.constant 0 : i32
    %c0_i32_0 = arith.constant 0 : i32
    return %arg0, %c0_i32 : i32, i32
  }
  func.func @transform_2(%arg0: i32) -> (i32, i32) {
    %c0_i32 = arith.constant 0 : i32
    %c0_i32_0 = arith.constant 0 : i32
    return %c0_i32, %arg0 : i32, i32
  }
  func.func @transform_3(%arg0: i32) -> (i32, i32) {
    %c0_i32 = arith.constant 0 : i32
    %c0_i32_0 = arith.constant 0 : i32
    return %c0_i32, %arg0 : i32, i32
  }
  func.func @transform_4(%arg0: i32) -> (i32, i32) {
    %c0_i32 = arith.constant 0 : i32
    %c0_i32_0 = arith.constant 0 : i32
    %c0_i32_1 = arith.constant 0 : i32
    return %c0_i32, %c0_i32_0 : i32, i32
  }
}

module attributes {stable_mosaic.version = 14 : i64} {
  func.func @_final_body(%arg0: memref<1024x1xf32, #tpu.memory_space<vmem>>, %arg1: memref<1024x128xf32, #tpu.memory_space<vmem>>, %arg2: memref<1024x128xf32, #tpu.memory_space<vmem>>, %arg3: memref<1024x128xf32, #tpu.memory_space<vmem>>, %arg4: memref<1024x1xi32, #tpu.memory_space<vmem>>, %arg5: memref<1024x1xi32, #tpu.memory_space<vmem>>, %arg6: memref<1024x1xf32, #tpu.memory_space<vmem>>) attributes {dimension_semantics = [], scalar_prefetch = 0 : i64, scratch_operands = 0 : i64, tpu.core_type = #tpu.core_type<tc>} {
    %get3A = arith.constant 0 : index
    %get3A_0 = arith.constant 0 : index
    %get3A_1 = vector.load %arg1[%get3A, %get3A_0] : memref<1024x128xf32, #tpu.memory_space<vmem>>, vector<1024x64xf32>
    %get3A_2 = arith.constant 0 : index
    %get3A_3 = arith.constant 0 : index
    %get3A_4 = vector.load %arg4[%get3A_2, %get3A_3] : memref<1024x1xi32, #tpu.memory_space<vmem>>, vector<1024x1xi32>
    %eq3A = arith.constant 1 : i32
    %eq3A_5 = vector.broadcast %eq3A : i32 to vector<1024x1xi32>
    %eq3A_6 = arith.cmpi eq, %get3A_4, %eq3A_5 : vector<1024x1xi32>
    %get3A_7 = arith.constant 0 : index
    %get3A_8 = arith.constant 64 : index
    %get3A_9 = vector.load %arg2[%get3A_7, %get3A_8] : memref<1024x128xf32, #tpu.memory_space<vmem>>, vector<1024x64xf32>
    %get3A_10 = arith.constant 0 : index
    %get3A_11 = arith.constant 0 : index
    %get3A_12 = vector.load %arg2[%get3A_10, %get3A_11] : memref<1024x128xf32, #tpu.memory_space<vmem>>, vector<1024x64xf32>
    %broadcast_in_dim3A = vector.shape_cast %eq3A_6 : vector<1024x1xi1> to vector<1024x1xi1>
    %broadcast_in_dim3A_13 = vector.broadcast %broadcast_in_dim3A : vector<1024x1xi1> to vector<1024x64xi1>
    %select_n3A = arith.select %broadcast_in_dim3A_13, %get3A_9, %get3A_12 : vector<1024x64xi1>, vector<1024x64xf32>
    %mul3A = arith.mulf %get3A_1, %select_n3A : vector<1024x64xf32>
    %reduce_sum3A = arith.constant dense<0.000000e+00> : vector<1024xf32>
    %reduce_sum3A_14 = vector.multi_reduction <add>, %mul3A, %reduce_sum3A [1] : vector<1024x64xf32> to vector<1024xf32>
    %broadcast_in_dim3A_15 = vector.shape_cast %reduce_sum3A_14 : vector<1024xf32> to vector<1024x1xf32>
    %iota3A = tpu.iota {dimensions = array<i32: 1>} : vector<1024x128xi32>
    %get3A_16 = arith.constant 0 : index
    %get3A_17 = arith.constant 0 : index
    %get3A_18 = vector.load %arg5[%get3A_16, %get3A_17] : memref<1024x1xi32, #tpu.memory_space<vmem>>, vector<1024x1xi32>
    %eq3A_19 = vector.broadcast %get3A_18 : vector<1024x1xi32> to vector<1024x128xi32>
    %eq3A_20 = arith.cmpi eq, %iota3A, %eq3A_19 : vector<1024x128xi32>
    %get3A_21 = arith.constant 0 : index
    %get3A_22 = arith.constant 0 : index
    %get3A_23 = vector.load %arg3[%get3A_21, %get3A_22] : memref<1024x128xf32, #tpu.memory_space<vmem>>, vector<1024x128xf32>
    %jit3A = arith.constant 0.000000e+00 : f32
    %broadcast_in_dim3A_24 = vector.broadcast %jit3A : f32 to vector<1024x128xf32>
    %select_n3A_25 = arith.select %eq3A_20, %get3A_23, %broadcast_in_dim3A_24 : vector<1024x128xi1>, vector<1024x128xf32>
    %reduce_sum3A_26 = arith.constant dense<0.000000e+00> : vector<1024xf32>
    %reduce_sum3A_27 = vector.multi_reduction <add>, %select_n3A_25, %reduce_sum3A_26 [1] : vector<1024x128xf32> to vector<1024xf32>
    %broadcast_in_dim3A_28 = vector.shape_cast %reduce_sum3A_27 : vector<1024xf32> to vector<1024x1xf32>
    %get3A_29 = arith.constant 0 : index
    %get3A_30 = arith.constant 0 : index
    %get3A_31 = vector.load %arg0[%get3A_29, %get3A_30] : memref<1024x1xf32, #tpu.memory_space<vmem>>, vector<1024x1xf32>
    %sub3A = arith.subf %get3A_31, %broadcast_in_dim3A_15 : vector<1024x1xf32>
    %sub3A_32 = arith.subf %sub3A, %broadcast_in_dim3A_28 : vector<1024x1xf32>
    %swap3A = arith.constant 0 : index
    %swap3A_33 = arith.constant 0 : index
    %swap3A_34 = vector.load %arg6[%swap3A, %swap3A_33] : memref<1024x1xf32, #tpu.memory_space<vmem>>, vector<1024x1xf32>
    tpu.vector_store %arg6[%swap3A, %swap3A_33], %sub3A_32 {strides = array<i32>} : memref<1024x1xf32, #tpu.memory_space<vmem>>, vector<1024x1xf32>,
    return
  }
}

</mosaic_0001>

<sc_bundles>
// kernel: kernel.10.cloned.1.call-start
scs
__scs_entry_jumppad:
0x0: {  	(pc) =	sbr.rel $0x88, $3  }
0x1: {  	(tag) =	ssettag $0x0;
	lr =	simm.s32 $0x1  }
0x2: {  	[smem:$0x3F9C] =	sst lr;
	_ =	strace $0xD0000000  }
0x3: {  	_ = 	snop  }
0x4: {  	_ = 	snop  }
0x5: {  	_ = 	snop  }
0x6: {  	_ = 	snop  }
0x7: {  	_ = 	snop  }
__scs_overlays_trampoline_lowered:
0x8: {  	[smem:$0x3FAB] =	sst s0  }
0x9: {  	[smem:$0x3FAC] =	sst s1  }
0xa: {  	[smem:$0x3FAD] =	sst s2  }
0xb: {  	[smem:$0x3FAE] =	sst s3  }
0xc: {  	[smem:$0x3FAF] =	sst s4  }
0xd: {  	[smem:$0x3FB0] =	sst s5  }
0xe: {  	[smem:$0x3FB1] =	sst s6  }
0xf: {  	[smem:$0x3FB2] =	sst s7  }
0x10: {  	[smem:$0x3FB3] =	sst s8  }
0x11: {  	[smem:$0x3FB4] =	sst s9;
	s0 =	simm.s32 @!p0 $0x0  }
0x12: {  	s1 =	sld [smem:$0x3F9A];
	s0 =	simm.s32 @p0 $0x1  }
0x13: {  	[smem:$0x3FB5] =	sst s0;
	s0 =	simm.s32 @!p1 $0x0  }
0x14: {  	s2 =	sld [smem:$0x3F99];
	s0 =	simm.s32 @p1 $0x1  }
0x15: {  	[smem:$0x3FB6] =	sst s0;
	s0 =	simm.s32 @!p2 $0x0  }
0x16: {  	s3 =	sld [smem:$0x3FDB];
	s0 =	simm.s32 @p2 $0x1  }
0x17: {  	s4 =	simm.s32 $0x1BF5;
	[smem:$0x3FB8] =	sst s0  }
0x18: {  	s0 =	sld [smem:$0x3F9B];
	_ =	swait.ge [sflag:s4], $0x0  }
0x19: {  	s7 =	sld [smem:$0x3F9C]  }
0x1a: {  	s8 =	sadd.s32 $0xFFFFE003, lr  }
0x1b: {  	s9 =	sadd.s32 $0xFFFFFEF7, lr;
	s5 =	simm.s32 $0xFFFFFFFF;
	p2 =	slt.u32 s8, $0xFFFFF086  }
0x1c: {  	p1 =	slt.u32 s9, $0xF7A;
	s5 =	simm.s32 @!p2 $0x0  }
0x1d: {  	s5 =	simm.s32 @p1 $0x1;
	p0 =	seq.s32 s7, s2  }
0x1e: {  	s7 =	smul.u32 @!p0 $0xF7A, s2;
	p2 =	seq.s32 @!p0 s5, $0x0  }
0x1f: {  	s9 =	smul.u32 $0xF7A, s1;
	s8 =	simm.s32 @!p0 $0x1BF5;
	p2 =	por !p2, p0  }
0x20: {  	[sflag:s8] =	ssyncset.s32 @!p0 $0xFFFFF086;
	s6 =	sadd.s32 @!p0 s3, s7;
	s7 =	simm.s32 @!p0 $0x108  }
0x21: {  	s3 =	sadd.s32 s3, s9;
	s6 =	sadd.s32 @!p0 $0x88, s6;
	s7 =	simm.s32 @p2 $0x1082  }
0x22: {  	[simem:s7], [sflag:s8] =	dma.local @!p0 [hbm:s6], $0xF7A  }
0x23: {  	s9 =	sor.u32 $0xD0000000, s2;
	s6 =	simm.s32 $0x108;
	_ =	swait.ge @!p0 [sflag:s8], $0x0  }
0x24: {  	s3 =	sadd.s32 $0x88, s3;
	s6 =	simm.s32 @!p1 $0x1082;
	[sflag:s4] =	ssyncset.s32 $0xFFFFF086  }
0x25: {  	[simem:s6], [sflag:s4] =	dma.local [hbm:s3], $0xF7A  }
0x26: {  	[smem:$0x3F9C] =	sst s1;
	(tag) =	ssettag s2;
	_ =	strace s9  }
0x27: {  	s1 =	sld [smem:$0x3FAC]  }
0x28: {  	s2 =	sld [smem:$0x3FAD]  }
0x29: {  	s4 =	sld [smem:$0x3FAF]  }
0x2a: {  	p0 =	seq.s32 s5, $0x0;
	s5 =	sld [smem:$0x3FB0]  }
0x2b: {  	s6 =	sld [smem:$0x3FB1]  }
0x2c: {  	s7 =	sld [smem:$0x3FB2]  }
0x2d: {  	s3 =	simm.s32 $0x108;
	s8 =	sld [smem:$0x3FB3]  }
0x2e: {  	s3 =	simm.s32 @!p0 $0x1082;
	s9 =	sld [smem:$0x3FB4]  }
0x2f: {  	lr =	sadd.s32 s0, s3;
	s0 =	sld [smem:$0x3FAB]  }
0x30: {  	s3 =	sld [smem:$0x3FAE]  }
0x31: {  	[smem:$0x3FB7] =	sst s10  }
0x32: {  	s10 =	sld [smem:$0x3FB5];
	_ =	sdelay $0x3  }
0x33: {  	p0 =	seq.s32 s10, $0x1;
	s10 =	sld [smem:$0x3FB7];
	_ =	sdelay $0x3  }
0x34: {  	[smem:$0x3FB7] =	sst s10  }
0x35: {  	s10 =	sld [smem:$0x3FB6];
	_ =	sdelay $0x3  }
0x36: {  	p1 =	seq.s32 s10, $0x1;
	s10 =	sld [smem:$0x3FB7];
	_ =	sdelay $0x3  }
0x37: {  	[smem:$0x3FB7] =	sst s10  }
0x38: {  	s10 =	sld [smem:$0x3FB8]  }
0x39: {  	_ = 	snop;
	(pc) =	sbr.ind lr, $3  }
0x3a: {  	_ = 	snop  }
0x3b: {  	_ = 	snop  }
0x3c: {  	p2 =	seq.s32 s10, $0x1;
	s10 =	sld [smem:$0x3FB7]  }
0x3d: {  	_ =	shalt  }
0x3e: {  	_ =	shalt  }
0x3f: {  	_ =	shalt  }
0x40: {  	_ =	shalt  }
0x41: {  	_ =	shalt  }
0x42: {  	_ =	shalt  }
0x43: {  	_ =	shalt  }
0x44: {  	_ =	shalt  }
0x45: {  	_ =	shalt  }
0x46: {  	_ =	shalt  }
0x47: {  	_ =	shalt  }
0x48: {  	_ =	shalt  }
0x49: {  	_ =	shalt  }
0x4a: {  	_ =	shalt  }
0x4b: {  	_ =	shalt  }
0x4c: {  	_ =	shalt  }
0x4d: {  	_ =	shalt  }
0x4e: {  	_ =	shalt  }
0x4f: {  	_ =	shalt  }
0x50: {  	_ =	shalt  }
0x51: {  	_ =	shalt  }
0x52: {  	_ =	shalt  }
0x53: {  	_ =	shalt  }
0x54: {  	_ =	shalt  }
0x55: {  	_ =	shalt  }
0x56: {  	_ =	shalt  }
0x57: {  	_ =	shalt  }
0x58: {  	_ =	shalt  }
0x59: {  	_ =	shalt  }
0x5a: {  	_ =	shalt  }
0x5b: {  	_ =	shalt  }
0x5c: {  	_ =	shalt  }
0x5d: {  	_ =	shalt  }
0x5e: {  	_ =	shalt  }
0x5f: {  	_ =	shalt  }
0x60: {  	_ =	shalt  }
0x61: {  	_ =	shalt  }
0x62: {  	_ =	shalt  }
0x63: {  	_ =	shalt  }
0x64: {  	_ =	shalt  }
0x65: {  	_ =	shalt  }
0x66: {  	_ =	shalt  }
0x67: {  	_ =	shalt  }
0x68: {  	_ =	shalt  }
0x69: {  	_ =	shalt  }
0x6a: {  	_ =	shalt  }
0x6b: {  	_ =	shalt  }
0x6c: {  	_ =	shalt  }
0x6d: {  	_ =	shalt  }
0x6e: {  	_ =	shalt  }
0x6f: {  	_ =	shalt  }
0x70: {  	_ =	shalt  }
0x71: {  	_ =	shalt  }
0x72: {  	_ =	shalt  }
0x73: {  	_ =	shalt  }
0x74: {  	_ =	shalt  }
0x75: {  	_ =	shalt  }
0x76: {  	_ =	shalt  }
0x77: {  	_ =	shalt  }
0x78: {  	_ =	shalt  }
0x79: {  	_ =	shalt  }
0x7a: {  	_ =	shalt  }
0x7b: {  	_ =	shalt  }
0x7c: {  	_ =	shalt  }
0x7d: {  	_ =	shalt  }
0x7e: {  	_ =	shalt  }
0x7f: {  	_ =	shalt  }
0x80: {  	_ =	shalt  }
0x81: {  	_ =	shalt  }
0x82: {  	_ =	shalt  }
0x83: {  	_ =	shalt  }
0x84: {  	_ =	shalt  }
0x85: {  	_ =	shalt  }
0x86: {  	_ =	shalt  }
0x87: {  	_ =	shalt  }
.Lfunc_end0:
.L_simem_size_0:
called_computation.1_lowered:
.L_overlay_start_0:
0x88: {  	s2 =	sld [smem:$0x3FD9]  }
0x89: {  	s3 =	sld [smem:$0x3FFE];
	_ =	sdelay $0x1  }
0x8a: {  	s1 =	srdreg.scid  }
0x8b: {  	s0 =	sand.u32 $0x1, s1  }
0x8c: {  	s17 =	sshll.u32 s0, $0xA;
	s2 =	sadd.s32 s3, s2  }
0x8d: {  	s2 =	sadd.s32 s2, s17  }
0x8e: {  	[smem:$0x3FC3] =	sst s2  }
0x8f: {  	_ = 	snop  }
0x90: {  	s2 =	sld [smem:$0x3FD0];
	(tm) =	ssettm $0x1  }
0x91: {  	s18 =	sld [smem:$0x3FFB];
	_ =	sdelay $0x3  }
0x92: {  	_ =	strace s18  }
0x93: {  	s3 =	sld [smem:$0x3FFC];
	_ =	sdelay $0x3  }
0x94: {  	_ =	strace s3  }
0x95: {  	s3 =	sld [smem:$0x3FFD];
	_ =	sdelay $0x3  }
0x96: {  	_ =	strace s3  }
0x97: {  	_ =	strace $0x8FFFFFFF  }
0x98: {  	s19 =	sld [smem:$0x3FDB];
	_ =	sdelay $0x1  }
0x99: {  	s4 =	simm.s32 $_scs_section_size  }
0x9a: {  	s5 =	simm.s32 $_size__tile_overlayer_lowered;
	s6 =	simm.s32 $_tile_overlayer_lowered  }
0x9b: {  	s22 =	simm.s32 $0x1BFF;
	s21 =	sshll.u32 s6, $0x1;
	s3 =	sadd.s32 s4, s19  }
0x9c: {  	s7 =	simm.s32 $0x0;
	s20 =	sshll.u32 s5, $0x1;
	s5 =	sadd.s32 s21, s3  }
0x9d: {  	[timem:s7], [sflag:s22] =	dma.local [hbm:s5], s20  }
0x9e: {  	_ =	swait.ge [sflag:s22], s20  }
0x9f: {  	s4 =	ssub.s32 $0x0, s20;
	[sflag:s22] =	ssyncset.done $0x0  }
0xa0: {  	[sflag:s22] =	ssyncadd.s32 s4;
	_ =	sdelay $0x1  }
0xa1: {  	s23 =	simm.s32 $0x1B8B  }
0xa2: {  	_ =	swait.ge [sflag:s23], $0x1  }
0xa3: {  	[sflag:s23] =	ssyncset.done $0x0  }
0xa4: {  	s25 =	simm.s32 $0x1B8E;
	s24 =	sld [smem:$0x3FFE];
	[sflag:s23] =	ssyncadd.s32 $0xFFFFFFFF  }
0xa5: {  	s26 =	simm.s32 $execute0_lowered;
	[smem:$0x3FD2] =	sst s25  }
0xa6: {  	s5 =	sshll.u32 s26, $0x1;
	_ =	strace $0x80000049;
	[dreg:$0x1] =	wrdreg $0xFFFFFFFF  }
0xa7: {  	s28 =	simm.s32 $_size_execute0_lowered;
	s3 =	sadd.s32 s3, s5;
	[dreg:$0x0] =	wrdreg $0x0  }
0xa8: {  	s5 =	sshll.u32 s28, $0x1;
	[dreg:$0x2] =	wrdreg s3  }
0xa9: {  	[dreg:$0x3] =	wrdreg s5  }
0xaa: {  	[dreg:$0x4] =	wrdreg $0xC0  }
0xab: {  	_ =	task [dreg:s7], $0x5FFFF  }
0xac: {  	[dreg:$0x1] =	wrdreg $0xFFFFFFFF  }
0xad: {  	[dreg:$0x0] =	wrdreg $0x60  }
0xae: {  	[dreg:$0x2] =	wrdreg s24  }
0xaf: {  	[dreg:$0x3] =	wrdreg s2  }
0xb0: {  	[dreg:$0x4] =	wrdreg $0x9  }
0xb1: {  	_ =	task.clear_ibuf [dreg:s7], $0x5FFFF;
	_ =	strace $0x90000049  }
0xb2: {  	s29 =	simm.s32 $0x9;
	_ =	strace $0x8000004B  }
0xb3: {  	_ =	swait.ge [sflag:s29], $0x1  }
0xb4: {  	[sflag:s29] =	ssyncadd.s32 $0xFFFFFFFF  }
0xb5: {  	_ =	strace $0x9000004B  }
0xb6: {  	_ =	sfence  }
0xb7: {  	s30 =	sld [smem:$0x0];
	_ =	sdelay $0x2  }
0xb8: {  	s31 =	sshll.u32 s1, $0xD;
	s1 =	sshrl.u32 s1, $0x2  }
0xb9: {  	s3 =	sand.u32 $0x4000, s31;
	s1 =	sadd.s32 s1, s30  }
0xba: {  	s0 =	sor.u32 s3, s0;
	s1 =	sshll.u32 s1, $0x11  }
0xbb: {  	s0 =	sor.u32 s1, s0  }
0xbc: {  	s0 =	sadd.s32 $0x8F2B, s0  }
0xbd: {  	[sflag:s0] =	ssyncadd.remote.s32 $0x1  }
0xbe: {  	_ =	sfence.sel $0xFFFF  }
0xbf: {  	[dreg:$0x0] =	wrdreg $0xFFFFFFFF;
	(pc) =	sbr.abs _section_cstart, $3  }
0xc0: {  	[dreg:$0x1] =	wrdreg $0xFFFFFFFF  }
0xc1: {  	_ =	task.clear_ibuf [dreg:s7], $0x2FFFF;
	_ =	strace $0x9FFFFFFF  }
0xc2: {  	(tm) =	ssettm $0x7FFFFFFF  }
0xc3: {  	_ =	shalt  }
tec
execute0_lowered:
.L_overlay_start_1:
0x0: {  	(tag) =	ssettag $0x1  }
0x1: {  	s1 =	srdreg.scid  }
0x2: {  	s0 =	stileid.u32;
	s13 =	sand.u32 $0x1, s1  }
0x3: {  	s14 =	rddreg [dreg:$0x0];
	s30 =	sshll.u32 s0, $0x6;
	s2 =	sshll.u32 s13, $0x5  }
0x4: {  	s5 =	rddreg [dreg:$0x1];
	s15 =	sor.u32 s2, s30  }
0x5: {  	s1 =	rddreg [dreg:$0x2];
	s2 =	simm.s32 $0x0;
	s6 =	sshrl.u32 s15, $0x3  }
0x6: {  	[smem:$0x7FF] =	sst s2;
	s3 =	sadd.s32 s6, s14  }
0x7: {  	_ =	strace $0x8000004A;
	s4 =	sadd.s32 $0xCEE00, s3;
	s3 =	simm.s32 $0x2  }
0x8: {  	[tilespmem:s2], [sflag:$0x2] =	stream.linear.gather [hbm4b:s4+s2], $0x20, $0x38;
	[tilespmem:$0x2100] =	vst v63  }
0x9: {  	_ =	swait.ge [sflag:s3], $0x20  }
0xa: {  	[sflag:s3] =	ssyncset.done $0x0  }
0xb: {  	s5 =	sadd.s32 s5, s6;
	s6 =	simm.s32 $0x1080;
	[sflag:s3] =	ssyncadd.s32 $0xFFFFFFE0  }
0xc: {  	[tilespmem:s6], [sflag:$0x2] =	stream.linear.gather [hbm4b:s5+s2], $0x20, $0x38;
	[tilespmem:$0x2100] =	vst v63  }
0xd: {  	_ =	swait.ge [sflag:s3], $0x20  }
0xe: {  	s8 =	simm.s32 $0x20;
	[sflag:s3] =	ssyncset.done $0x0  }
0xf: {  	s9 =	simm.s32 $0x80;
	s7 =	sadd.s32 $0x8600, s14;
	[sflag:s3] =	ssyncadd.s32 $0xFFFFFFE0  }
0x10: {  	[tilespmem:s9], [sflag:$0x1] =	stream.indirect.gather [hbm4b:s7+s8], $0x80, s2, s8, $0xb8;
	[tilespmem:$0x2100] =	vst v63  }
0x11: {  	s11 =	simm.s32 $0x1100;
	s12 =	simm.s32 $0x1;
	s10 =	sadd.s32 $0xCBC00, s14  }
0x12: {  	[tilespmem:s11], [sflag:$0x1] =	stream.indirect.gather [hbm4b:s10+s8], $0x80, s6, s8, $0xb8;
	[tilespmem:$0x2100] =	vst v63  }
0x13: {  	_ =	swait.ge [sflag:s12], $0x1000  }
0x14: {  	[sflag:s12] =	ssyncset.done $0x0  }
0x15: {  	s31 =	ssub.s32 $0x2, s13;
	[sflag:s12] =	ssyncadd.s32 $0xFFFFF000  }
0x16: {  	s16 =	sshrl.u32 s31, $0x1;
	s15 =	sshll.u32 s15, $0x4;
	_ =	swait.ge [sflag:s12], $0x1000  }
0x17: {  	s14 =	sadd.s32 s15, s14;
	s15 =	ssub.s32 s31, s16;
	[sflag:s12] =	ssyncset.done $0x0  }
0x18: {  	s13 =	sadd.s32 $0xCF000, s14;
	s15 =	smax.u32 s15, $0x1;
	[sflag:s12] =	ssyncadd.s32 $0xFFFFF000  }
0x19: {  	[hbm4b:s13+s2] =	stream.linear.scatter [tilespmem:s9], [sflag:$0x2], $0x1000, $0x38;
	[tilespmem:$0x2100] =	vst v63  }
0x1a: {  	p0 =	sne.s32 s15, $0x1;
	_ =	swait.ge [sflag:s3], $0x1000  }
.Ltmp0:
0x1b: {  	[sflag:s3] =	ssyncset.done $0x0;
	(pc) =	sbr.rel @!p0 .LBB2_2-.Ltmp0, $4  }
0x1c: {  	s14 =	sadd.s32 $0xD3000, s14;
	[sflag:s3] =	ssyncadd.s32 $0xFFFFF000  }
0x1d: {  	[hbm4b:s14+s2] =	stream.linear.scatter [tilespmem:s11], [sflag:$0x2], $0x1000, $0x38;
	[tilespmem:$0x2100] =	vst v63  }
0x1e: {  	_ =	swait.ge [sflag:s3], $0x1000  }
0x1f: {  	s15 =	sadd.s32 $0xFFFFFFFF, s15;
	[sflag:s3] =	ssyncset.done $0x0  }
.LBB2_1:
0x20: {  	p0 =	sne.s32 s15, $0x1;
	s15 =	sadd.s32 $0xFFFFFFFF, s15;
	[sflag:s3] =	ssyncadd.s32 $0xFFFFF000  }
0x21: {  	[tilespmem:s2], [sflag:$0x2] =	stream.linear.gather [hbm4b:s4+s2], $0x20, $0x38;
	[tilespmem:$0x2100] =	vst v63  }
0x22: {  	_ =	swait.ge [sflag:s3], $0x20  }
0x23: {  	[sflag:s3] =	ssyncset.done $0x0  }
0x24: {  	[sflag:s3] =	ssyncadd.s32 $0xFFFFFFE0  }
0x25: {  	[tilespmem:s6], [sflag:$0x2] =	stream.linear.gather [hbm4b:s5+s2], $0x20, $0x38;
	[tilespmem:$0x2100] =	vst v63  }
0x26: {  	_ =	swait.ge [sflag:s3], $0x20  }
0x27: {  	[sflag:s3] =	ssyncset.done $0x0  }
0x28: {  	[sflag:s3] =	ssyncadd.s32 $0xFFFFFFE0  }
0x29: {  	[tilespmem:s9], [sflag:$0x1] =	stream.indirect.gather [hbm4b:s7+s8], $0x80, s2, s8, $0xb8;
	[tilespmem:$0x2100] =	vst v63  }
0x2a: {  	_ = 	snop  }
0x2b: {  	[tilespmem:s11], [sflag:$0x1] =	stream.indirect.gather [hbm4b:s10+s8], $0x80, s6, s8, $0xb8;
	[tilespmem:$0x2100] =	vst v63  }
0x2c: {  	_ =	swait.ge [sflag:s12], $0x1000  }
0x2d: {  	[sflag:s12] =	ssyncset.done $0x0  }
0x2e: {  	[sflag:s12] =	ssyncadd.s32 $0xFFFFF000  }
0x2f: {  	_ =	swait.ge [sflag:s12], $0x1000  }
0x30: {  	[sflag:s12] =	ssyncset.done $0x0  }
0x31: {  	[sflag:s12] =	ssyncadd.s32 $0xFFFFF000  }
0x32: {  	[hbm4b:s13+s2] =	stream.linear.scatter [tilespmem:s9], [sflag:$0x2], $0x1000, $0x38;
	[tilespmem:$0x2100] =	vst v63  }
0x33: {  	_ =	swait.ge [sflag:s3], $0x1000  }
.Ltmp1:
0x34: {  	[sflag:s3] =	ssyncset.done $0x0;
	(pc) =	sbr.rel @p0 .LBB2_1-.Ltmp1, $4  }
0x35: {  	[sflag:s3] =	ssyncadd.s32 $0xFFFFF000  }
0x36: {  	[hbm4b:s14+s2] =	stream.linear.scatter [tilespmem:s11], [sflag:$0x2], $0x1000, $0x38;
	[tilespmem:$0x2100] =	vst v63  }
0x37: {  	_ =	swait.ge [sflag:s3], $0x1000  }
0x38: {  	[sflag:s3] =	ssyncset.done $0x0  }
.LBB2_2:
0x39: {  	[sflag:s3] =	ssyncadd.s32 $0xFFFFF000  }
0x3a: {  	_ =	sfence.sel $0x180000  }
0x3b: {  	[bflag:$0x0] =	sbarrier.arrive $0xFFFF  }
0x3c: {  	p0 =	sne.s32 s0, $0x0;
	_ =	strace $0x9000004A  }
0x3d: {  	s0 =	sadd.s32 @!p0 $0x100000, s1;
	[bflag:$0x2] =	sbarrier.arrive $0xFFFF  }
0x3e: {  	[sflag:s0] =	ssyncadd.tile.s32 @!p0 $0x1;
	_ =	shalt  }
.Lfunc_end2:
_tile_overlayer_lowered:
.L_overlay_start_2:
0x3f: {  	(tag) =	ssettag $0x2  }
0x40: {  	s0 =	rddreg [dreg:$0x0];
	s2 =	stileid.u32  }
0x41: {  	s1 =	rddreg [dreg:$0x1];
	p0 =	sne.s32 s2, $0x0  }
0x42: {  	s3 =	rddreg [dreg:$0x2];
	[bflag:$0x3] =	sbarrier.arrive $0xFFFF;
	s2 =	simm.s32 @!p0 $0x1C02  }
0x43: {  	[timem:s3], [sflag:s2] =	dma.local @!p0 [hbm:s0], s1  }
0x44: {  	s0 =	simm.s32 @!p0 $0x2  }
0x45: {  	_ =	swait.ge @!p0 [sflag:s0], s1  }
0x46: {  	s1 =	ssub.s32 @!p0 $0x0, s1;
	[sflag:s0] =	ssyncset.done @!p0 $0x0  }
0x47: {  	[sflag:s0] =	ssyncadd.s32 @!p0 s1  }
0x48: {  	[bflag:$0x3] =	sbarrier.arrive $0xFFFF  }
0x49: {  	_ =	shalt  }

// kernel: kernel.7.cloned.1.call-start
scs
__scs_entry_jumppad:
0x0: {  	(pc) =	sbr.rel $0x88, $3  }
0x1: {  	(tag) =	ssettag $0x0;
	lr =	simm.s32 $0x1  }
0x2: {  	[smem:$0x3F9C] =	sst lr;
	_ =	strace $0xD0000000  }
0x3: {  	_ = 	snop  }
0x4: {  	_ = 	snop  }
0x5: {  	_ = 	snop  }
0x6: {  	_ = 	snop  }
0x7: {  	_ = 	snop  }
__scs_overlays_trampoline_lowered:
0x8: {  	[smem:$0x3FAB] =	sst s0  }
0x9: {  	[smem:$0x3FAC] =	sst s1  }
0xa: {  	[smem:$0x3FAD] =	sst s2  }
0xb: {  	[smem:$0x3FAE] =	sst s3  }
0xc: {  	[smem:$0x3FAF] =	sst s4  }
0xd: {  	[smem:$0x3FB0] =	sst s5  }
0xe: {  	[smem:$0x3FB1] =	sst s6  }
0xf: {  	[smem:$0x3FB2] =	sst s7  }
0x10: {  	[smem:$0x3FB3] =	sst s8  }
0x11: {  	[smem:$0x3FB4] =	sst s9;
	s0 =	simm.s32 @!p0 $0x0  }
0x12: {  	s1 =	sld [smem:$0x3F9A];
	s0 =	simm.s32 @p0 $0x1  }
0x13: {  	[smem:$0x3FB5] =	sst s0;
	s0 =	simm.s32 @!p1 $0x0  }
0x14: {  	s2 =	sld [smem:$0x3F99];
	s0 =	simm.s32 @p1 $0x1  }
0x15: {  	[smem:$0x3FB6] =	sst s0;
	s0 =	simm.s32 @!p2 $0x0  }
0x16: {  	s3 =	sld [smem:$0x3FDB];
	s0 =	simm.s32 @p2 $0x1  }
0x17: {  	s4 =	simm.s32 $0x1BF5;
	[smem:$0x3FB8] =	sst s0  }
0x18: {  	s0 =	sld [smem:$0x3F9B];
	_ =	swait.ge [sflag:s4], $0x0  }
0x19: {  	s7 =	sld [smem:$0x3F9C]  }
0x1a: {  	s8 =	sadd.s32 $0xFFFFE003, lr  }
0x1b: {  	s9 =	sadd.s32 $0xFFFFFEF7, lr;
	s5 =	simm.s32 $0xFFFFFFFF;
	p2 =	slt.u32 s8, $0xFFFFF086  }
0x1c: {  	p1 =	slt.u32 s9, $0xF7A;
	s5 =	simm.s32 @!p2 $0x0  }
0x1d: {  	s5 =	simm.s32 @p1 $0x1;
	p0 =	seq.s32 s7, s2  }
0x1e: {  	s7 =	smul.u32 @!p0 $0xF7A, s2;
	p2 =	seq.s32 @!p0 s5, $0x0  }
0x1f: {  	s9 =	smul.u32 $0xF7A, s1;
	s8 =	simm.s32 @!p0 $0x1BF5;
	p2 =	por !p2, p0  }
0x20: {  	[sflag:s8] =	ssyncset.s32 @!p0 $0xFFFFF086;
	s6 =	sadd.s32 @!p0 s3, s7;
	s7 =	simm.s32 @!p0 $0x108  }
0x21: {  	s3 =	sadd.s32 s3, s9;
	s6 =	sadd.s32 @!p0 $0x88, s6;
	s7 =	simm.s32 @p2 $0x1082  }
0x22: {  	[simem:s7], [sflag:s8] =	dma.local @!p0 [hbm:s6], $0xF7A  }
0x23: {  	s9 =	sor.u32 $0xD0000000, s2;
	s6 =	simm.s32 $0x108;
	_ =	swait.ge @!p0 [sflag:s8], $0x0  }
0x24: {  	s3 =	sadd.s32 $0x88, s3;
	s6 =	simm.s32 @!p1 $0x1082;
	[sflag:s4] =	ssyncset.s32 $0xFFFFF086  }
0x25: {  	[simem:s6], [sflag:s4] =	dma.local [hbm:s3], $0xF7A  }
0x26: {  	[smem:$0x3F9C] =	sst s1;
	(tag) =	ssettag s2;
	_ =	strace s9  }
0x27: {  	s1 =	sld [smem:$0x3FAC]  }
0x28: {  	s2 =	sld [smem:$0x3FAD]  }
0x29: {  	s4 =	sld [smem:$0x3FAF]  }
0x2a: {  	p0 =	seq.s32 s5, $0x0;
	s5 =	sld [smem:$0x3FB0]  }
0x2b: {  	s6 =	sld [smem:$0x3FB1]  }
0x2c: {  	s7 =	sld [smem:$0x3FB2]  }
0x2d: {  	s3 =	simm.s32 $0x108;
	s8 =	sld [smem:$0x3FB3]  }
0x2e: {  	s3 =	simm.s32 @!p0 $0x1082;
	s9 =	sld [smem:$0x3FB4]  }
0x2f: {  	lr =	sadd.s32 s0, s3;
	s0 =	sld [smem:$0x3FAB]  }
0x30: {  	s3 =	sld [smem:$0x3FAE]  }
0x31: {  	[smem:$0x3FB7] =	sst s10  }
0x32: {  	s10 =	sld [smem:$0x3FB5];
	_ =	sdelay $0x3  }
0x33: {  	p0 =	seq.s32 s10, $0x1;
	s10 =	sld [smem:$0x3FB7];
	_ =	sdelay $0x3  }
0x34: {  	[smem:$0x3FB7] =	sst s10  }
0x35: {  	s10 =	sld [smem:$0x3FB6];
	_ =	sdelay $0x3  }
0x36: {  	p1 =	seq.s32 s10, $0x1;
	s10 =	sld [smem:$0x3FB7];
	_ =	sdelay $0x3  }
0x37: {  	[smem:$0x3FB7] =	sst s10  }
0x38: {  	s10 =	sld [smem:$0x3FB8]  }
0x39: {  	_ = 	snop;
	(pc) =	sbr.ind lr, $3  }
0x3a: {  	_ = 	snop  }
0x3b: {  	_ = 	snop  }
0x3c: {  	p2 =	seq.s32 s10, $0x1;
	s10 =	sld [smem:$0x3FB7]  }
0x3d: {  	_ =	shalt  }
0x3e: {  	_ =	shalt  }
0x3f: {  	_ =	shalt  }
0x40: {  	_ =	shalt  }
0x41: {  	_ =	shalt  }
0x42: {  	_ =	shalt  }
0x43: {  	_ =	shalt  }
0x44: {  	_ =	shalt  }
0x45: {  	_ =	shalt  }
0x46: {  	_ =	shalt  }
0x47: {  	_ =	shalt  }
0x48: {  	_ =	shalt  }
0x49: {  	_ =	shalt  }
0x4a: {  	_ =	shalt  }
0x4b: {  	_ =	shalt  }
0x4c: {  	_ =	shalt  }
0x4d: {  	_ =	shalt  }
0x4e: {  	_ =	shalt  }
0x4f: {  	_ =	shalt  }
0x50: {  	_ =	shalt  }
0x51: {  	_ =	shalt  }
0x52: {  	_ =	shalt  }
0x53: {  	_ =	shalt  }
0x54: {  	_ =	shalt  }
0x55: {  	_ =	shalt  }
0x56: {  	_ =	shalt  }
0x57: {  	_ =	shalt  }
0x58: {  	_ =	shalt  }
0x59: {  	_ =	shalt  }
0x5a: {  	_ =	shalt  }
0x5b: {  	_ =	shalt  }
0x5c: {  	_ =	shalt  }
0x5d: {  	_ =	shalt  }
0x5e: {  	_ =	shalt  }
0x5f: {  	_ =	shalt  }
0x60: {  	_ =	shalt  }
0x61: {  	_ =	shalt  }
0x62: {  	_ =	shalt  }
0x63: {  	_ =	shalt  }
0x64: {  	_ =	shalt  }
0x65: {  	_ =	shalt  }
0x66: {  	_ =	shalt  }
0x67: {  	_ =	shalt  }
0x68: {  	_ =	shalt  }
0x69: {  	_ =	shalt  }
0x6a: {  	_ =	shalt  }
0x6b: {  	_ =	shalt  }
0x6c: {  	_ =	shalt  }
0x6d: {  	_ =	shalt  }
0x6e: {  	_ =	shalt  }
0x6f: {  	_ =	shalt  }
0x70: {  	_ =	shalt  }
0x71: {  	_ =	shalt  }
0x72: {  	_ =	shalt  }
0x73: {  	_ =	shalt  }
0x74: {  	_ =	shalt  }
0x75: {  	_ =	shalt  }
0x76: {  	_ =	shalt  }
0x77: {  	_ =	shalt  }
0x78: {  	_ =	shalt  }
0x79: {  	_ =	shalt  }
0x7a: {  	_ =	shalt  }
0x7b: {  	_ =	shalt  }
0x7c: {  	_ =	shalt  }
0x7d: {  	_ =	shalt  }
0x7e: {  	_ =	shalt  }
0x7f: {  	_ =	shalt  }
0x80: {  	_ =	shalt  }
0x81: {  	_ =	shalt  }
0x82: {  	_ =	shalt  }
0x83: {  	_ =	shalt  }
0x84: {  	_ =	shalt  }
0x85: {  	_ =	shalt  }
0x86: {  	_ =	shalt  }
0x87: {  	_ =	shalt  }
.Lfunc_end0:
.L_simem_size_0:
called_computation_lowered:
.L_overlay_start_0:
0x88: {  	s2 =	sld [smem:$0x3FD9]  }
0x89: {  	s3 =	sld [smem:$0x3FFE];
	_ =	sdelay $0x1  }
0x8a: {  	s1 =	srdreg.scid  }
0x8b: {  	s0 =	sand.u32 $0x1, s1  }
0x8c: {  	s16 =	sshll.u32 s0, $0xA;
	s2 =	sadd.s32 s3, s2  }
0x8d: {  	s2 =	sadd.s32 s2, s16  }
0x8e: {  	[smem:$0x3FC3] =	sst s2  }
0x8f: {  	_ = 	snop  }
0x90: {  	(tm) =	ssettm $0x1  }
0x91: {  	s17 =	sld [smem:$0x3FFB];
	_ =	sdelay $0x3  }
0x92: {  	_ =	strace s17  }
0x93: {  	s2 =	sld [smem:$0x3FFC];
	_ =	sdelay $0x3  }
0x94: {  	_ =	strace s2  }
0x95: {  	s2 =	sld [smem:$0x3FFD];
	_ =	sdelay $0x3  }
0x96: {  	_ =	strace s2  }
0x97: {  	_ =	strace $0x8FFFFFFF  }
0x98: {  	s18 =	sld [smem:$0x3FDB];
	_ =	sdelay $0x1  }
0x99: {  	s19 =	simm.s32 $_scs_section_size  }
0x9a: {  	s4 =	simm.s32 $_size__tile_overlayer_lowered;
	s5 =	simm.s32 $_tile_overlayer_lowered  }
0x9b: {  	s22 =	simm.s32 $0x1BFF;
	s21 =	sshll.u32 s5, $0x1;
	s2 =	sadd.s32 s19, s18  }
0x9c: {  	s6 =	simm.s32 $0x0;
	s20 =	sshll.u32 s4, $0x1;
	s4 =	sadd.s32 s21, s2  }
0x9d: {  	[timem:s6], [sflag:s22] =	dma.local [hbm:s4], s20  }
0x9e: {  	_ =	swait.ge [sflag:s22], s20  }
0x9f: {  	s3 =	ssub.s32 $0x0, s20;
	[sflag:s22] =	ssyncset.done $0x0  }
0xa0: {  	[sflag:s22] =	ssyncadd.s32 s3;
	_ =	sdelay $0x1  }
0xa1: {  	s23 =	simm.s32 $0x1B8B  }
0xa2: {  	_ =	swait.ge [sflag:s23], $0x1  }
0xa3: {  	[sflag:s23] =	ssyncset.done $0x0  }
0xa4: {  	s25 =	simm.s32 $0x1B8E;
	s24 =	sld [smem:$0x3FFE];
	[sflag:s23] =	ssyncadd.s32 $0xFFFFFFFF  }
0xa5: {  	s26 =	simm.s32 $execute0_lowered;
	[smem:$0x3FD2] =	sst s25  }
0xa6: {  	s4 =	sshll.u32 s26, $0x1;
	_ =	strace $0x80000046;
	[dreg:$0x1] =	wrdreg $0xFFFFFFFF  }
0xa7: {  	s28 =	simm.s32 $_size_execute0_lowered;
	s2 =	sadd.s32 s2, s4;
	[dreg:$0x0] =	wrdreg $0x0  }
0xa8: {  	s4 =	sshll.u32 s28, $0x1;
	[dreg:$0x2] =	wrdreg s2  }
0xa9: {  	[dreg:$0x3] =	wrdreg s4  }
0xaa: {  	[dreg:$0x4] =	wrdreg $0xC0  }
0xab: {  	_ =	task [dreg:s6], $0x5FFFF  }
0xac: {  	[dreg:$0x1] =	wrdreg $0xFFFFFFFF  }
0xad: {  	[dreg:$0x0] =	wrdreg $0x60  }
0xae: {  	[dreg:$0x2] =	wrdreg s24  }
0xaf: {  	[dreg:$0x3] =	wrdreg $0x9  }
0xb0: {  	_ =	task.clear_ibuf [dreg:s6], $0x4FFFF;
	_ =	strace $0x90000046  }
0xb1: {  	s29 =	simm.s32 $0x9;
	_ =	strace $0x80000048  }
0xb2: {  	_ =	swait.ge [sflag:s29], $0x1  }
0xb3: {  	[sflag:s29] =	ssyncadd.s32 $0xFFFFFFFF  }
0xb4: {  	_ =	strace $0x90000048  }
0xb5: {  	_ =	sfence  }
0xb6: {  	s30 =	sld [smem:$0x0];
	_ =	sdelay $0x2  }
0xb7: {  	s31 =	sshll.u32 s1, $0xD;
	s1 =	sshrl.u32 s1, $0x2  }
0xb8: {  	s3 =	sand.u32 $0x4000, s31;
	s1 =	sadd.s32 s1, s30  }
0xb9: {  	s0 =	sor.u32 s3, s0;
	s1 =	sshll.u32 s1, $0x11  }
0xba: {  	s0 =	sor.u32 s1, s0  }
0xbb: {  	s0 =	sadd.s32 $0x8F2B, s0  }
0xbc: {  	[sflag:s0] =	ssyncadd.remote.s32 $0x1  }
0xbd: {  	_ =	sfence.sel $0xFFFF  }
0xbe: {  	[dreg:$0x0] =	wrdreg $0xFFFFFFFF;
	(pc) =	sbr.abs _section_cstart, $3  }
0xbf: {  	[dreg:$0x1] =	wrdreg $0xFFFFFFFF  }
0xc0: {  	_ =	task.clear_ibuf [dreg:s6], $0x2FFFF;
	_ =	strace $0x9FFFFFFF  }
0xc1: {  	(tm) =	ssettm $0x7FFFFFFF  }
tec
execute0_lowered:
.L_overlay_start_1:
0x0: {  	(tag) =	ssettag $0x1  }
0x1: {  	s1 =	srdreg.scid  }
0x2: {  	s0 =	stileid.u32;
	s4 =	rddreg [dreg:$0x0]  }
0x3: {  	s2 =	simm.s32 $0x0;
	s10 =	simm.s32 $0x80;
	s11 =	simm.s32 $0x500  }
0x4: {  	s12 =	simm.s32 $0x4500;
	s13 =	simm.s32 $0x100;
	s14 =	simm.s32 $0x8500  }
0x5: {  	s15 =	simm.s32 $0x180;
	s16 =	simm.s32 $0xC500;
	s17 =	simm.s32 $0x200  }
0x6: {  	s18 =	simm.s32 $0x10500;
	s19 =	simm.s32 $0x1;
	s20 =	simm.s32 $0x14500  }
0x7: {  	s3 =	sand.u32 $0x1, s1;
	s5 =	sshll.u32 s0, $0x1;
	s1 =	rddreg [dreg:$0x1]  }
0x8: {  	s21 =	simm.s32 $0x0;
	[smem:$0x7FF] =	sst s2;
	s5 =	sor.u32 s3, s5  }
0x9: {  	_ =	strace $0x80000047;
	s7 =	ssub.s32 $0x2, s3;
	s6 =	smul.u32 $0x50, s5  }
0xa: {  	s3 =	sadd.s32 $0x18B000, s4;
	s5 =	sshll.u32 s5, $0x9;
	s8 =	sshrl.u32 s7, $0x1  }
0xb: {  	vm0 =	vcmask $0x300;
	v0 =	vimm.f32 $0.0e+00;
	s9 =	sadd.s32 s5, s4;
	s7 =	ssub.s32 s7, s8;
	s6 =	sadd.s32 s6, s4  }
0xc: {  	v1 =	vsel vm0, $0x3F800000, v0;
	s8 =	simm.s32 $0x2;
	s7 =	smax.u32 s7, $0x1;
	s4 =	sadd.s32 $0x3200, s6  }
0xd: {  	[tilespmem:$0x1FFF0] =	vst v1;
	s5 =	sadd.s32 $0x3C00, s6;
	s6 =	sadd.s32 $0x4600, s9;
	s9 =	simm.s32 $0x280  }
.LBB2_1:
0xe: {  	[tilespmem:s2], [sflag:$0x2] =	stream.linear.gather [hbm4b:s4+s2], $0x280, $0x38;
	[tilespmem:$0x15500] =	vst v63  }
0xf: {  	_ =	swait.ge [sflag:s8], $0x280  }
0x10: {  	[sflag:s8] =	ssyncset.done $0x0  }
0x11: {  	[sflag:s8] =	ssyncadd.s32 $0xFFFFFD80  }
0x12: {  	[tilespmem:s9], [sflag:$0x2] =	stream.linear.gather [hbm4b:s5+s2], $0x280, $0x38;
	[tilespmem:$0x15500] =	vst v63  }
0x13: {  	_ =	swait.ge [sflag:s8], $0x280  }
0x14: {  	[sflag:s8] =	ssyncset.done $0x0  }
0x15: {  	[sflag:s8] =	ssyncadd.s32 $0xFFFFFD80  }
0x16: {  	[tilespmem:s11], [sflag:$0x1] =	stream.indirect.gather [hbm4b:s3+s10], $0x80, s2, s10, $0xb8;
	[tilespmem:$0x15500] =	vst v63  }
0x17: {  	_ = 	snop  }
0x18: {  	[tilespmem:s12], [sflag:$0x1] =	stream.indirect.gather [hbm4b:s3+s10], $0x80, s10, s10, $0xb8;
	[tilespmem:$0x15500] =	vst v63  }
0x19: {  	_ = 	snop  }
0x1a: {  	[tilespmem:s14], [sflag:$0x1] =	stream.indirect.gather [hbm4b:s3+s10], $0x80, s13, s10, $0xb8;
	[tilespmem:$0x15500] =	vst v63  }
0x1b: {  	_ = 	snop  }
0x1c: {  	[tilespmem:s16], [sflag:$0x1] =	stream.indirect.gather [hbm4b:s3+s10], $0x80, s15, s10, $0xb8;
	[tilespmem:$0x15500] =	vst v63  }
0x1d: {  	_ = 	snop  }
0x1e: {  	[tilespmem:s18], [sflag:$0x1] =	stream.indirect.gather [hbm4b:s3+s10], $0x80, s17, s10, $0xb8;
	[tilespmem:$0x15500] =	vst v63  }
0x1f: {  	_ =	swait.ge [sflag:s19], $0x4000  }
0x20: {  	[sflag:s19] =	ssyncset.done $0x0  }
0x21: {  	[sflag:s19] =	ssyncadd.s32 $0xFFFFC000  }
0x22: {  	_ =	swait.ge [sflag:s19], $0x4000  }
0x23: {  	[sflag:s19] =	ssyncset.done $0x0  }
0x24: {  	[sflag:s19] =	ssyncadd.s32 $0xFFFFC000  }
0x25: {  	_ =	swait.ge [sflag:s19], $0x4000  }
0x26: {  	[sflag:s19] =	ssyncset.done $0x0  }
0x27: {  	[sflag:s19] =	ssyncadd.s32 $0xFFFFC000  }
0x28: {  	_ =	swait.ge [sflag:s19], $0x4000  }
0x29: {  	[sflag:s19] =	ssyncset.done $0x0  }
0x2a: {  	[sflag:s19] =	ssyncadd.s32 $0xFFFFC000  }
0x2b: {  	_ =	swait.ge [sflag:s19], $0x4000  }
0x2c: {  	s22 =	simm.s32 $0x13;
	[sflag:s19] =	ssyncset.done $0x0  }
0x2d: {  	s23 =	simm.s32 $0x14540;
	s24 =	simm.s32 $0xA00;
	[sflag:s19] =	ssyncadd.s32 $0xFFFFC000  }
.LBB2_2:
0x2e: {  	v45 =	vld [tilespmem:s24+$0xFFFFFB40]  }
0x2f: {  	v44 =	vld [tilespmem:s24+$0xFFFFFB00]  }
0x30: {  	v47 =	vld [tilespmem:s24+$0xFFFFFBC0]  }
0x31: {  	v46 =	vld [tilespmem:s24+$0xFFFFFB80]  }
0x32: {  	v51 =	vld [tilespmem:s24+$0xFFFFFC40]  }
0x33: {  	v50 =	vld [tilespmem:s24+$0xFFFFFC00]  }
0x34: {  	v32 =	vld [tilespmem:s24+$0xFFFFFE40]  }
0x35: {  	v33 =	vld [tilespmem:s24+$0xFFFFFEC0]  }
0x36: {  	v34 =	vld [tilespmem:s24+$0xFFFFFE80]  }
0x37: {  	v35 =	vld [tilespmem:s24+$0xFFFFFF40]  }
0x38: {  	v36 =	vld [tilespmem:s24+$0xFFFFFF00]  }
0x39: {  	v37 =	vld [tilespmem:s24+$0xFFFFFFC0]  }
0x3a: {  	v38 =	vld [tilespmem:s24+$0xFFFFFF80]  }
0x3b: {  	v39 =	vld [tilespmem:s24+$0x40]  }
0x3c: {  	v40 =	vld [tilespmem:s24+$0x0]  }
0x3d: {  	v41 =	vld [tilespmem:s24+$0xC0]  }
0x3e: {  	v42 =	vld [tilespmem:s24+$0x80]  }
0x3f: {  	v43 =	vld [tilespmem:s24+$0x140]  }
0x40: {  	v48 =	vld [tilespmem:s24+$0x100]  }
0x41: {  	v49 =	vld [tilespmem:s24+$0x1C0]  }
0x42: {  	s28 =	sadd.s32 $0xFFFFFFEE, s22;
	s31 =	sadd.s32 $0xFFFFFFF2, s22;
	v52 =	vld [tilespmem:s24+$0x180]  }
0x43: {  	s29 =	sadd.s32 $0xFFFFFFEF, s22;
	s26 =	sadd.s32 $0xFFFFFFF0, s22;
	v27 =	vmov s22;
	v53 =	vld [tilespmem:s24+$0x240];
	v1 =	vmov s28;
	v5 =	vmov s31;
	s31 =	sadd.s32 $0xFFFFFFF6, s22  }
0x44: {  	v8 =	vld [tilespmem:s24+$0x440];
	v2 =	vmov s29;
	v4 =	vmov s26;
	s28 =	sadd.s32 $0xFFFFFFF3, s22;
	s26 =	sadd.s32 $0xFFFFFFFB, s22;
	v7 =	vmov s31  }
0x45: {  	s29 =	sadd.s32 $0xFFFFFFF5, s22;
	v6 =	vmov s28;
	v13 =	vmov s26;
	v58 =	vand.u32 $0xFFFFFFFD, v7;
	v7 =	vld [tilespmem:s24+$0x380]  }
0x46: {  	v55 =	vmov s29;
	s28 =	sadd.s32 $0xFFFFFFF7, s22;
	v6 =	vand.u32 $0xFFFFFFFE, v6;
	v15 =	vand.u32 $0xFFFFFFFE, v13;
	v13 =	vld [tilespmem:s24+$0x150]  }
0x47: {  	v59 =	vmov s28;
	v54 =	vbroadcast v6, $0x0;
	v6 =	vand.u32 $0xFFFFFFFC, v55;
	v55 =	vld [tilespmem:s24+$0xFFFFFCC0]  }
0x48: {  	s31 =	sadd.s32 $0xFFFFFFFA, s22;
	v61 =	vand.u32 $0xFFFFFFFE, v59;
	v59 =	vld [tilespmem:s24+$0xFFFFFD40]  }
0x49: {  	v10 =	vmov s31;
	v60 =	vbroadcast v58, $0x0;
	v58 =	vld [tilespmem:s24+$0xFFFFFD00]  }
0x4a: {  	s30 =	sadd.s32 $0xFFFFFFF1, s22;
	v12 =	vand.u32 $0xFFFFFFFD, v10;
	v10 =	vld [tilespmem:s24+$0x4C0]  }
0x4b: {  	v3 =	vmov s30;
	s30 =	sadd.s32 $0xFFFFFFF4, s22;
	v16 =	vbroadcast v15, $0x0;
	v15 =	vld [tilespmem:s24+$0x1D0]  }
0x4c: {  	v56 =	vmov s30;
	s29 =	sadd.s32 $0xFFFFFFF9, s22;
	s30 =	sadd.s32 $0xFFFFFFF8, s22;
	v31 =	vld.idx.msk [tilespmem:v27+s9+$0x0], $0xffff  }
0x4d: {  	v63 =	vmov s29;
	v9 =	vmov s30;
	s31 =	sadd.s32 $0xFFFFFFFF, s22;
	v62 =	vbroadcast v61, $0x0;
	v61 =	vld [tilespmem:s24+$0xFFFFFDC0]  }
0x4e: {  	s30 =	sadd.s32 $0xFFFFFFFE, s22;
	v23 =	vmov s31;
	v57 =	vbroadcast v6, $0x0;
	v6 =	vand.u32 $0xFFFFFFFC, v63;
	v63 =	vld [tilespmem:s24+$0xFFFFFE00]  }
0x4f: {  	v20 =	vmov s30;
	v24 =	vand.u32 $0xFFFFFFFE, v23;
	v23 =	vld [tilespmem:s24+$0xFFFFFB50]  }
0x50: {  	v22 =	vand.u32 $0xFFFFFFFD, v20;
	v20 =	vld [tilespmem:s24+$0xFFFFFB10]  }
0x51: {  	[tilespmem:$0x1FC90] =	vst v33;
	v33 =	vld [tilespmem:s24+$0xFFFFFCD0]  }
0x52: {  	[tilespmem:$0x1FC70] =	vst v32;
	v32 =	vld [tilespmem:s24+$0xFFFFFC90]  }
0x53: {  	[tilespmem:$0x1FCF0] =	vst v37;
	v37 =	vld [tilespmem:s24+$0xFFFFFD50]  }
0x54: {  	[tilespmem:$0x1FCA0] =	vst v34;
	v34 =	vld [tilespmem:s24+$0xFFFFFD10]  }
0x55: {  	[tilespmem:$0x1FD20] =	vst v39;
	v39 =	vld [tilespmem:s24+$0xFFFFFDD0]  }
0x56: {  	[tilespmem:$0x1FD00] =	vst v38;
	v38 =	vld [tilespmem:s24+$0xFFFFFD90]  }
0x57: {  	[tilespmem:$0x1FD50] =	vst v41;
	v41 =	vld [tilespmem:s24+$0xFFFFFE50]  }
0x58: {  	[tilespmem:$0x1FD30] =	vst v40;
	v40 =	vld [tilespmem:s24+$0xFFFFFE10]  }
0x59: {  	[tilespmem:$0x1FD90] =	vst v43;
	v43 =	vld [tilespmem:s24+$0xFFFFFED0]  }
0x5a: {  	[tilespmem:$0x1FD60] =	vst v42;
	v42 =	vld [tilespmem:s24+$0xFFFFFE90]  }
0x5b: {  	[tilespmem:$0x1FDE0] =	vst v49;
	v49 =	vld [tilespmem:s24+$0xFFFFFF50]  }
0x5c: {  	[tilespmem:$0x1FDA0] =	vst v48;
	v48 =	vld [tilespmem:s24+$0xFFFFFF10]  }
0x5d: {  	[tilespmem:$0x1FE30] =	vst v53;
	v53 =	vld [tilespmem:s24+$0xFFFFFFD0]  }
0x5e: {  	s28 =	sadd.s32 $0xFFFFFFFD, s22;
	[tilespmem:$0x1FDF0] =	vst v52;
	v52 =	vld [tilespmem:s24+$0xFFFFFF90]  }
0x5f: {  	v17 =	vmov s28;
	v14 =	vbroadcast v12, $0x0;
	v12 =	vld [tilespmem:s24+$0xD0]  }
0x60: {  	v19 =	vand.u32 $0xFFFFFFFC, v17;
	v17 =	vld [tilespmem:s24+$0x250]  }
0x61: {  	v27 =	vld [tilespmem:s24+$0x3D0]  }
0x62: {  	s25 =	sadd.s32 $0xFFFFFFED, s22;
	[tilespmem:$0x1FCC0] =	vst v35;
	v35 =	vld [tilespmem:s24+$0x410]  }
0x63: {  	v0 =	vmov s25;
	[tilespmem:$0x1FCD0] =	vst v36;
	v36 =	vld [tilespmem:s24+$0x4D0]  }
0x64: {  	v0 =	vand.u32 $0xFFFFFFFC, v0;
	[tilespmem:$0x1FF70] =	vst v8;
	v8 =	vld [tilespmem:s24+$0xFFFFFBA0]  }
0x65: {  	v1 =	vand.u32 $0xFFFFFFFD, v1;
	v0 =	vbroadcast v0, $0x0;
	v4 =	vld.idx.msk [tilespmem:v4+s9+$0x0], $0xffff  }
0x66: {  	v2 =	vand.u32 $0xFFFFFFFE, v2;
	v1 =	vbroadcast v1, $0x0;
	v11 =	vbroadcast v6, $0x0;
	v6 =	vld [tilespmem:s24+$0x3C0]  }
0x67: {  	v3 =	vand.u32 $0xFFFFFFFC, v3;
	v2 =	vbroadcast v2, $0x0;
	v25 =	vbroadcast v24, $0x0;
	v24 =	vld [tilespmem:s24+$0xFFFFFB90]  }
0x68: {  	v5 =	vand.u32 $0xFFFFFFFD, v5;
	v3 =	vbroadcast v3, $0x0;
	v21 =	vbroadcast v19, $0x0;
	v19 =	vld [tilespmem:s24+$0x2D0]  }
0x69: {  	v5 =	vbroadcast v5, $0x0;
	[tilespmem:$0x1FF30] =	vst v7;
	v7 =	vld [tilespmem:s24+$0xFFFFFB60]  }
0x6a: {  	s29 =	sadd.s32 $0xFFFFFFFC, s22;
	[tilespmem:$0x1FDB0] =	vst v13;
	v13 =	vld [tilespmem:s24+$0xFFFFFCE0]  }
0x6b: {  	v18 =	vmov s29;
	v0 =	vld.idx.msk [tilespmem:v0+s9+$0x0], $0xffff  }
0x6c: {  	v1 =	vld.idx.msk [tilespmem:v1+s9+$0x0], $0xffff  }
0x6d: {  	v2 =	vld.idx.msk [tilespmem:v2+s9+$0x0], $0xffff  }
0x6e: {  	v3 =	vld.idx.msk [tilespmem:v3+s9+$0x0], $0xffff  }
0x6f: {  	v5 =	vld.idx.msk [tilespmem:v5+s9+$0x0], $0xffff  }
0x70: {  	v28 =	vld.idx.msk [tilespmem:v18+s9+$0x0], $0xffff  }
0x71: {  	v18 =	vld [tilespmem:s24+$0x210]  }
0x72: {  	[tilespmem:$0x1FFC0] =	vst v10;
	v10 =	vld [tilespmem:s24+$0xFFFFFC20]  }
0x73: {  	[tilespmem:$0x1FE00] =	vst v15;
	v15 =	vld [tilespmem:s24+$0xFFFFFD60]  }
0x74: {  	v26 =	vld.idx.msk [tilespmem:v16+s9+$0x0], $0xffff  }
0x75: {  	v16 =	vld [tilespmem:s24+$0x190]  }
0x76: {  	[tilespmem:$0x1FFB0] =	vst v31;
	v31 =	vld [tilespmem:s24+$0x450]  }
0x77: {  	[tilespmem:$0x1FD70] =	vst v12;
	v12 =	vld [tilespmem:s24+$0xFFFFFCA0]  }
0x78: {  	[tilespmem:$0x1FE50] =	vst v17;
	v17 =	vld [tilespmem:s24+$0xFFFFFDE0]  }
0x79: {  	[tilespmem:$0x1FF40] =	vst v27;
	v27 =	vld [tilespmem:s24+$0xFFFFFF60]  }
0x7a: {  	[tilespmem:$0x1FFE0] =	vst v36;
	v36 =	vld [tilespmem:s24+$0x60]  }
0x7b: {  	[tilespmem:$0x1FFA0] =	vst v35;
	v35 =	vld [tilespmem:s24+$0x20]  }
0x7c: {  	[tilespmem:$0x1FC30] =	vst v4;
	v4 =	vld.idx.msk [tilespmem:v60+s9+$0x0], $0xffff  }
0x7d: {  	v60 =	vld [tilespmem:s24+$0xFFFFFD80]  }
0x7e: {  	[tilespmem:$0x1FF20] =	vst v6;
	v6 =	vld [tilespmem:s24+$0xFFFFFB20]  }
0x7f: {  	[tilespmem:$0x1FEA0] =	vst v19;
	v19 =	vld [tilespmem:s24+$0xFFFFFE60]  }
0x80: {  	v29 =	vld.idx.msk [tilespmem:v21+s9+$0x0], $0xffff  }
0x81: {  	v21 =	vld [tilespmem:s24+$0x290]  }
0x82: {  	[tilespmem:$0x1FC00] =	vst v0;
	v0 =	vld.idx.msk [tilespmem:v54+s9+$0x0], $0xffff  }
0x83: {  	[tilespmem:$0x1FC10] =	vst v1;
	v1 =	vld.idx.msk [tilespmem:v56+s9+$0x0], $0xffff  }
0x84: {  	[tilespmem:$0x1FC20] =	vst v2;
	v2 =	vld.idx.msk [tilespmem:v57+s9+$0x0], $0xffff  }
0x85: {  	[tilespmem:$0x1FC40] =	vst v3;
	v3 =	vld.idx.msk [tilespmem:v62+s9+$0x0], $0xffff  }
0x86: {  	[tilespmem:$0x1FC50] =	vst v5;
	v5 =	vld.idx.msk [tilespmem:v9+s9+$0x0], $0xffff  }
0x87: {  	v54 =	vld [tilespmem:s24+$0xFFFFFC80]  }
0x88: {  	v56 =	vld [tilespmem:s24+$0x200]  }
0x89: {  	v57 =	vld [tilespmem:s24+$0x2C0]  }
0x8a: {  	v62 =	vld [tilespmem:s24+$0x280]  }
0x8b: {  	v9 =	vld [tilespmem:s24+$0x400]  }
0x8c: {  	[tilespmem:$0x1FE70] =	vst v28;
	v28 =	vld [tilespmem:s24+$0xFFFFFC10]  }
0x8d: {  	[tilespmem:$0x1FE60] =	vst v18;
	v18 =	vld [tilespmem:s24+$0xFFFFFE20]  }
0x8e: {  	[tilespmem:$0x1FE20] =	vst v26;
	v26 =	vld [tilespmem:s24+$0x310]  }
0x8f: {  	[tilespmem:$0x1FE10] =	vst v16;
	v16 =	vld [tilespmem:s24+$0xFFFFFDA0]  }
0x90: {  	[tilespmem:$0x1FF90] =	vst v31;
	v31 =	vld [tilespmem:s24+$0xFFFFFFE0]  }
0x91: {  	[tilespmem:$0x1FCE0] =	vst v4;
	v4 =	vbroadcast v22, $0x0;
	v22 =	vld [tilespmem:s24+$0x350]  }
0x92: {  	[tilespmem:$0x1FEC0] =	vst v29;
	v29 =	vld [tilespmem:s24+$0xFFFFFC50]  }
0x93: {  	[tilespmem:$0x1FEB0] =	vst v21;
	v21 =	vld [tilespmem:s24+$0xFFFFFEA0]  }
0x94: {  	[tilespmem:$0x1FC60] =	vst v0;
	v0 =	vld.idx.msk [tilespmem:v11+s9+$0x0], $0xffff  }
0x95: {  	[tilespmem:$0x1FC80] =	vst v1;
	v1 =	vld.idx.msk [tilespmem:v14+s9+$0x0], $0xffff  }
0x96: {  	[tilespmem:$0x1FD40] =	vst v5;
	v5 =	vld [tilespmem:s24+$0x300]  }
0x97: {  	v11 =	vld [tilespmem:s24+$0x480]  }
0x98: {  	[tilespmem:$0x1FE80] =	vst v57;
	v57 =	vld [tilespmem:s24+$0x50]  }
0x99: {  	[tilespmem:$0x1FE40] =	vst v56;
	v56 =	vld [tilespmem:s24+$0x10]  }
0x9a: {  	[tilespmem:$0x1FE90] =	vst v62;
	v62 =	vld [tilespmem:s24+$0x90]  }
0x9b: {  	v14 =	vld [tilespmem:s24+$0x110]  }
0x9c: {  	[tilespmem:$0x1FF80] =	vst v9;
	v9 =	vld [tilespmem:s24+$0xFFFFFBE0]  }
0x9d: {  	[tilespmem:$0x1FD10] =	vst v3;
	v3 =	vld [tilespmem:s24+$0xFFFFFBF0]  }
0x9e: {  	[tilespmem:$0x1FCB0] =	vst v2;
	v2 =	vld [tilespmem:s24+$0xFFFFFBB0]  }
0x9f: {  	v30 =	vld.idx.msk [tilespmem:v4+s9+$0x0], $0xffff  }
0xa0: {  	v4 =	vld [tilespmem:s24+$0x340]  }
0xa1: {  	[tilespmem:$0x1FF00] =	vst v26;
	v26 =	vld [tilespmem:s24+$0xFFFFFF20]  }
0xa2: {  	[tilespmem:$0x1FEF0] =	vst v22;
	v22 =	vld [tilespmem:s24+$0xFFFFFEE0]  }
0xa3: {  	[tilespmem:$0x1FD80] =	vst v0;
	v0 =	vld.idx.msk [tilespmem:v25+s9+$0x0], $0xffff  }
0xa4: {  	v25 =	vld [tilespmem:s24+$0xFFFFFBD0]  }
0xa5: {  	[tilespmem:$0x1FED0] =	vst v4;
	v4 =	vld [tilespmem:$0x1FC00]  }
0xa6: {  	[tilespmem:$0x1FFD0] =	vst v11;
	v11 =	vld [tilespmem:s24+$0xFFFFFC60]  }
0xa7: {  	[tilespmem:$0x1FDC0] =	vst v14;
	v14 =	vld [tilespmem:s24+$0xFFFFFD20]  }
0xa8: {  	[tilespmem:$0x1FF10] =	vst v30;
	v30 =	vld [tilespmem:s24+$0x390]  }
0xa9: {  	[tilespmem:$0x1FDD0] =	vst v1;
	v1 =	vld [tilespmem:s24+$0xFFFFFB70]  }
0xaa: {  	vm0 =	veq.s32 v4, $0x1;
	v4 =	vld [tilespmem:$0x1FC10]  }
0xab: {  	[tilespmem:$0x1FEE0] =	vst v5;
	v5 =	vld [tilespmem:s24+$0xFFFFFC70]  }
0xac: {  	[tilespmem:$0x1FF60] =	vst v0;
	v0 =	vld [tilespmem:s24+$0xFFFFFB30]  }
0xad: {  	[tilespmem:$0x1FF50] =	vst v30;
	v30 =	vld [tilespmem:s24+$0xFFFFFFA0]  }
0xae: {  	v6 =	vsel vm0, v7, v6;
	v7 =	vld [tilespmem:s24+$0xFFFFFCF0]  }
0xaf: {  	vm1 =	veq.s32 v4, $0x1;
	v4 =	vld [tilespmem:s24+$0xFFFFFC30]  }
0xb0: {  	v46 =	vsel vm1, v47, v46;
	v47 =	vld [tilespmem:$0x1FC20]  }
0xb1: {  	v20 =	vsel vm0, v23, v20;
	v23 =	vsel vm1, v25, v24;
	v24 =	vld [tilespmem:s24+$0xFFFFFCB0]  }
0xb2: {  	v44 =	vsel vm0, v45, v44;
	v2 =	vsel vm1, v3, v2;
	v3 =	vld [tilespmem:s24+$0xFFFFFD70]  }
0xb3: {  	v0 =	vsel vm0, v1, v0;
	v1 =	vadd.f32 v46, v44;
	v44 =	vld [tilespmem:s24+$0xFFFFFDF0]  }
0xb4: {  	v46 =	vld [tilespmem:s24+$0xFFFFFDB0]  }
0xb5: {  	vm10 =	veq.s32 v47, $0x1;
	v47 =	vld [tilespmem:$0x1FC40]  }
0xb6: {  	v25 =	vsel vm10, v29, v28;
	v29 =	vld [tilespmem:$0x1FC30]  }
0xb7: {  	v10 =	vsel vm10, v11, v10;
	v11 =	vld [tilespmem:s24+$0xFFFFFD30]  }
0xb8: {  	v51 =	vsel vm10, v51, v50;
	v50 =	vld [tilespmem:s24+$0xFFFFFE70]  }
0xb9: {  	v1 =	vadd.f32 v51, v1;
	v51 =	vld [tilespmem:s24+$0xFFFFFE30]  }
0xba: {  	vm12 =	veq.s32 v47, $0x1;
	v47 =	vld [tilespmem:$0x1FCB0]  }
0xbb: {  	vm11 =	veq.s32 v29, $0x1;
	v14 =	vsel vm12, v15, v14;
	v15 =	vld [tilespmem:s24+$0xFFFFFFF0]  }
0xbc: {  	v20 =	vadd.f32 v23, v20;
	v45 =	vsel vm11, v55, v54;
	v54 =	vld [tilespmem:$0x1FC50]  }
0xbd: {  	v55 =	vld [tilespmem:s24+$0xFFFFFEF0]  }
0xbe: {  	v20 =	vadd.f32 v25, v20;
	v7 =	vsel vm11, v7, v24;
	v24 =	vsel vm12, v59, v58;
	v59 =	vld [tilespmem:s24+$0xFFFFFEB0]  }
0xbf: {  	v29 =	vsel vm11, v33, v32;
	v1 =	vadd.f32 v45, v1;
	v45 =	vld [tilespmem:$0x1FCA0]  }
0xc0: {  	v20 =	vadd.f32 v29, v20;
	v29 =	vld [tilespmem:s24+$0x3A0]  }
0xc1: {  	v32 =	vsel vm12, v37, v34;
	vm4 =	veq.s32 v47, $0x1;
	v47 =	vld [tilespmem:s24+$0xB0]  }
0xc2: {  	v20 =	vadd.f32 v32, v20;
	v32 =	vld [tilespmem:s24+$0x260]  }
0xc3: {  	v26 =	vsel vm4, v27, v26;
	v27 =	vld [tilespmem:$0x1FEC0]  }
0xc4: {  	vm13 =	veq.s32 v54, $0x1;
	v54 =	vld [tilespmem:$0x1FCD0]  }
0xc5: {  	v58 =	vsel vm13, v61, v60;
	v60 =	vld [tilespmem:$0x1FC60]  }
0xc6: {  	v61 =	vld [tilespmem:s24+$0xFFFFFF70]  }
0xc7: {  	v33 =	vsel vm13, v39, v38;
	v39 =	vld [tilespmem:$0x1FC70]  }
0xc8: {  	v4 =	vsel vm10, v5, v4;
	v5 =	vsel vm13, v44, v46;
	v44 =	vld [tilespmem:$0x1FC90]  }
0xc9: {  	v46 =	vld [tilespmem:s24+$0xFFFFFFB0]  }
0xca: {  	v1 =	vadd.f32 v24, v1;
	v38 =	vsel vm4, v49, v48;
	v49 =	vld [tilespmem:$0x1FD40]  }
0xcb: {  	v48 =	vld [tilespmem:s24+$0x160]  }
0xcc: {  	v1 =	vadd.f32 v58, v1;
	v58 =	vld [tilespmem:$0x1FCE0]  }
0xcd: {  	v20 =	vadd.f32 v33, v20;
	v33 =	vld [tilespmem:$0x1FDD0]  }
0xce: {  	vm14 =	veq.s32 v60, $0x1;
	v60 =	vld [tilespmem:$0x1FCF0]  }
0xcf: {  	vm7 =	veq.s32 v49, $0x1;
	v49 =	vld [tilespmem:s24+$0x2A0]  }
0xd0: {  	v34 =	vsel vm14, v41, v40;
	v40 =	vld [tilespmem:s24+$0xFFFFFF30]  }
0xd1: {  	v41 =	vld [tilespmem:$0x1FC80]  }
0xd2: {  	v8 =	vsel vm1, v9, v8;
	v9 =	vsel vm14, v50, v51;
	v50 =	vld [tilespmem:s24+$0x70]  }
0xd3: {  	v51 =	vld [tilespmem:$0x1FCC0]  }
0xd4: {  	v24 =	vsel vm14, v39, v63;
	v63 =	vld [tilespmem:s24+$0xA0]  }
0xd5: {  	vm5 =	veq.s32 v58, $0x1;
	v58 =	vld [tilespmem:s24+$0x1A0]  }
0xd6: {  	vm9 =	veq.s32 v33, $0x1;
	v33 =	vld [tilespmem:$0x1FEF0]  }
0xd7: {  	v15 =	vsel vm5, v15, v46;
	v46 =	vld [tilespmem:$0x1FD30]  }
0xd8: {  	v6 =	vadd.f32 v8, v6;
	v39 =	vsel vm5, v53, v52;
	v52 =	vld [tilespmem:$0x1FD60]  }
0xd9: {  	v53 =	vld [tilespmem:s24+$0x170]  }
0xda: {  	v6 =	vadd.f32 v10, v6;
	v30 =	vsel vm5, v31, v30;
	v31 =	vld [tilespmem:s24+$0x1B0]  }
0xdb: {  	v12 =	vsel vm11, v13, v12;
	v13 =	vsel vm4, v61, v40;
	v61 =	vld [tilespmem:$0x1FD00]  }
0xdc: {  	v6 =	vadd.f32 v12, v6;
	v1 =	vadd.f32 v24, v1;
	v24 =	vsel vm4, v51, v54;
	v51 =	vld [tilespmem:$0x1FD50]  }
0xdd: {  	v54 =	vld [tilespmem:$0x1FD70]  }
0xde: {  	v6 =	vadd.f32 v14, v6;
	v40 =	vld [tilespmem:s24+$0x220]  }
0xdf: {  	v16 =	vsel vm13, v17, v16;
	vm15 =	veq.s32 v41, $0x1;
	v41 =	vld [tilespmem:$0x1FDE0]  }
0xe0: {  	v3 =	vsel vm12, v3, v11;
	v6 =	vadd.f32 v16, v6;
	v11 =	vsel vm15, v55, v59;
	v55 =	vld [tilespmem:s24+$0x30]  }
0xe1: {  	v18 =	vsel vm14, v19, v18;
	v59 =	vld [tilespmem:s24+$0xE0]  }
0xe2: {  	v6 =	vadd.f32 v18, v6;
	v37 =	vsel vm15, v43, v42;
	v43 =	vld [tilespmem:$0x1FD10]  }
0xe3: {  	v28 =	vsel vm15, v44, v45;
	v21 =	vsel vm15, v22, v21;
	v44 =	vld [tilespmem:s24+$0xF0]  }
0xe4: {  	v45 =	vld [tilespmem:$0x1FD20];
	v6 =	vadd.f32 v21, v6  }
0xe5: {  	v42 =	vld [tilespmem:$0x1FDF0]  }
0xe6: {  	v6 =	vadd.f32 v26, v6;
	v26 =	vld [tilespmem:s24+$0x3E0]  }
0xe7: {  	v1 =	vadd.f32 v28, v1;
	v28 =	vsel vm5, v60, v61;
	v60 =	vld [tilespmem:$0x1FDA0]  }
0xe8: {  	v61 =	vld [tilespmem:s24+$0x1F0]  }
0xe9: {  	v25 =	vsel vm7, v54, v62;
	v62 =	vld [tilespmem:$0x1FDB0]  }
0xea: {  	v54 =	vld [tilespmem:$0x1FE60]  }
0xeb: {  	v19 =	vsel vm7, v59, v63;
	v59 =	vld [tilespmem:$0x1FD90]  }
0xec: {  	v63 =	vld [tilespmem:$0x1FDC0]  }
0xed: {  	vm6 =	veq.s32 v43, $0x1;
	v43 =	vld [tilespmem:s24+$0x270]  }
0xee: {  	v22 =	vsel vm7, v44, v47;
	v44 =	vld [tilespmem:$0x1FE00]  }
0xef: {  	v47 =	vld [tilespmem:s24+$0x2E0]  }
0xf0: {  	v6 =	vadd.f32 v30, v6;
	v30 =	vld [tilespmem:$0x1FED0]  }
0xf1: {  	v17 =	vsel vm6, v50, v55;
	v50 =	vld [tilespmem:s24+$0x120]  }
0xf2: {  	v55 =	vld [tilespmem:s24+$0x130]  }
0xf3: {  	v23 =	vsel vm6, v57, v56;
	v56 =	vld [tilespmem:s24+$0x1E0]  }
0xf4: {  	v57 =	vld [tilespmem:$0x1FD80]  }
0xf5: {  	v1 =	vadd.f32 v24, v1;
	v24 =	vsel vm6, v45, v46;
	v45 =	vld [tilespmem:$0x1FE10]  }
0xf6: {  	v46 =	vld [tilespmem:s24+$0x230]  }
0xf7: {  	v35 =	vsel vm6, v36, v35;
	v36 =	vadd.f32 v34, v20;
	v34 =	vld [tilespmem:$0x1FF00]  }
0xf8: {  	v1 =	vadd.f32 v28, v1;
	v20 =	vsel vm9, v41, v42;
	v41 =	vld [tilespmem:s24+$0x470]  }
0xf9: {  	v42 =	vld [tilespmem:$0x1FF40]  }
0xfa: {  	v1 =	vadd.f32 v24, v1;
	v24 =	vsel vm7, v51, v52;
	v51 =	vld [tilespmem:$0x1FE40]  }
0xfb: {  	v0 =	vadd.f32 v2, v0;
	v52 =	vld [tilespmem:s24+$0x2F0]  }
0xfc: {  	v6 =	vadd.f32 v35, v6;
	v35 =	vld [tilespmem:s24+$0x3B0]  }
0xfd: {  	v0 =	vadd.f32 v4, v0;
	v10 =	vadd.f32 v37, v36;
	v36 =	vld [tilespmem:s24+$0x460]  }
0xfe: {  	v37 =	vld [tilespmem:$0x1FF10]  }
0xff: {  	v0 =	vadd.f32 v7, v0;
	v7 =	vsel vm9, v61, v31;
	v61 =	vld [tilespmem:s24+$0x370]  }
0x100: {  	v31 =	vld [tilespmem:$0x1FEE0]  }
0x101: {  	v10 =	vadd.f32 v38, v10;
	v38 =	vld [tilespmem:s24+$0x420]  }
0x102: {  	v4 =	vsel vm9, v56, v58;
	v56 =	vld [tilespmem:s24+$0x360]  }
0x103: {  	v0 =	vadd.f32 v3, v0;
	vm8 =	veq.s32 v57, $0x1;
	v57 =	vld [tilespmem:$0x1FE70]  }
0x104: {  	v58 =	vld [tilespmem:s24+$0x320]  }
0x105: {  	v0 =	vadd.f32 v5, v0;
	v8 =	vsel vm8, v48, v50;
	v48 =	vld [tilespmem:$0x1FE20]  }
0x106: {  	v50 =	vld [tilespmem:$0x1FE30]  }
0x107: {  	v0 =	vadd.f32 v9, v0;
	v2 =	vsel vm8, v53, v55;
	v53 =	vld [tilespmem:$0x1FE50]  }
0x108: {  	v55 =	vld [tilespmem:s24+$0x2B0]  }
0x109: {  	v0 =	vadd.f32 v11, v0;
	v1 =	vadd.f32 v24, v1;
	v24 =	vsel vm8, v59, v60;
	v59 =	vld [tilespmem:$0x1FE80]  }
0x10a: {  	v60 =	vld [tilespmem:$0x1FE90]  }
0x10b: {  	v0 =	vadd.f32 v13, v0;
	v28 =	vsel vm8, v62, v63;
	v62 =	vld [tilespmem:$0x1FEA0]  }
0x10c: {  	v10 =	vadd.f32 v39, v10;
	v63 =	vld [tilespmem:$0x1FEB0]  }
0x10d: {  	v0 =	vadd.f32 v15, v0;
	v39 =	vld [tilespmem:$0x1FF20]  }
0x10e: {  	v1 =	vadd.f32 v24, v1;
	v24 =	vsel vm9, v44, v45;
	v44 =	vld [tilespmem:s24+$0x430];
	v10 =	vadd.f32 v23, v10  }
0x10f: {  	v45 =	vld [tilespmem:s24+$0x490]  }
0x110: {  	vm12 =	veq.s32 v27, $0x1;
	v0 =	vadd.f32 v17, v0;
	v10 =	vadd.f32 v25, v10;
	v25 =	vld [tilespmem:s24+$0x330]  }
0x111: {  	v6 =	vadd.f32 v19, v6;
	v13 =	vsel vm12, v56, v58;
	v56 =	vld [tilespmem:$0x1FFC0]  }
0x112: {  	v0 =	vadd.f32 v22, v0;
	vm11 =	veq.s32 v57, $0x1;
	v57 =	vld [tilespmem:$0x1FFD0]  }
0x113: {  	v6 =	vadd.f32 v8, v6;
	v9 =	vsel vm11, v47, v49;
	v47 =	vld [tilespmem:s24+$0x4E0]  }
0x114: {  	v0 =	vadd.f32 v2, v0;
	vm13 =	veq.s32 v37, $0x1;
	vm10 =	veq.s32 v48, $0x1;
	v48 =	vld [tilespmem:$0x1FF70]  }
0x115: {  	v21 =	vsel vm12, v33, v34;
	v12 =	vsel vm13, v26, v29;
	v1 =	vadd.f32 v20, v1;
	v49 =	vld [tilespmem:$0x1FF80]  }
0x116: {  	v4 =	vadd.f32 v4, v6;
	v0 =	vadd.f32 v7, v0;
	v11 =	vsel vm11, v52, v55;
	v55 =	vld [tilespmem:$0x1FFB0]  }
0x117: {  	v18 =	vsel vm11, v62, v63;
	v63 =	vimm.f32 $0.0e+00;
	v3 =	vsel vm10, v32, v40;
	v32 =	vld [tilespmem:s24+$0x3F0]  }
0x118: {  	v14 =	vsel vm10, v50, v51;
	v20 =	vsel vm10, v53, v54;
	v10 =	vadd.f32 v28, v10;
	v40 =	vld [tilespmem:$0x1FF30]  }
0x119: {  	v5 =	vsel vm10, v43, v46;
	v43 =	vld [tilespmem:$0x1FF50];
	v1 =	vadd.f32 v14, v1;
	v3 =	vadd.f32 v3, v4  }
0x11a: {  	v46 =	vld [tilespmem:$0x1FF60];
	v14 =	vsel vm11, v59, v60;
	v0 =	vadd.f32 v5, v0;
	v10 =	vadd.f32 v24, v10  }
0x11b: {  	v50 =	vld [tilespmem:s24+$0x4A0];
	v1 =	vadd.f32 v14, v1;
	v14 =	vsel vm12, v30, v31;
	v3 =	vadd.f32 v9, v3  }
0x11c: {  	v52 =	vld [tilespmem:$0x1FFA0];
	v15 =	vsel vm12, v61, v25;
	v0 =	vadd.f32 v11, v0;
	v10 =	vadd.f32 v20, v10  }
0x11d: {  	v62 =	vld [tilespmem:$0x1FFF0];
	vm15 =	veq.s32 v55, $0x1;
	v1 =	vadd.f32 v14, v1;
	v14 =	vsel vm13, v39, v40  }
0x11e: {  	v51 =	vld [tilespmem:$0x1FF90];
	v16 =	vsel vm13, v42, v43;
	v8 =	vsel vm13, v32, v35;
	v3 =	vadd.f32 v13, v3  }
0x11f: {  	v53 =	vld [tilespmem:s24+$0x4F0];
	vm14 =	veq.s32 v46, $0x1;
	v0 =	vadd.f32 v15, v0;
	v10 =	vadd.f32 v18, v10  }
0x120: {  	v54 =	vld [tilespmem:s24+$0x4B0];
	v7 =	vsel vm15, v56, v57;
	v60 =	vsel vm15, v47, v50;
	v1 =	vadd.f32 v14, v1  }
0x121: {  	v58 =	vld [tilespmem:$0x1FFE0];
	v14 =	vsel vm14, v48, v49;
	v3 =	vadd.f32 v12, v3;
	v10 =	vadd.f32 v21, v10  }
0x122: {  	[tilespmem:s23+$0x10] =	vst v63;
	v2 =	vsel vm14, v36, v38;
	v0 =	vadd.f32 v8, v0;
	v1 =	vadd.f32 v14, v1  }
0x123: {  	[tilespmem:s23+$0x20] =	vst v63;
	v4 =	vsel vm14, v41, v44;
	v2 =	vadd.f32 v2, v3;
	v10 =	vadd.f32 v16, v10  }
0x124: {  	p0 =	sne.s32 s22, $0x27F;
	[tilespmem:s23+$0x30] =	vst v63;
	v0 =	vadd.f32 v4, v0;
	v16 =	vsel vm14, v51, v52;
	v1 =	vadd.f32 v7, v1  }
.Ltmp0:
0x125: {  	[tilespmem:s23+$0x0] =	vst v62;
	v61 =	vsel vm15, v53, v54;
	v2 =	vadd.f32 v60, v2;
	v10 =	vadd.f32 v16, v10;
	(pc) =	sbr.rel @p0 .LBB2_2-.Ltmp0, $4  }
0x126: {  	v5 =	vsel vm15, v58, v45;
	v0 =	vadd.f32 v61, v0;
	[tilespmem:s23+$0xFFFFFFC0] =	vst v1  }
0x127: {  	[tilespmem:s23+$0xFFFFFFE0] =	vst v2;
	v59 =	vadd.f32 v5, v10  }
0x128: {  	[tilespmem:s23+$0xFFFFFFF0] =	vst v0  }
0x129: {  	s22 =	sadd.s32 $0x14, s22;
	s24 =	sadd.s32 $0xA00, s24;
	[tilespmem:s23+$0xFFFFFFD0] =	vst v59;
	s23 =	sadd.s32 $0x80, s23  }
0x12a: {  	s21 =	sadd.s32 $0x1, s21  }
0x12b: {  	p0 =	sne.s32 s21, s7  }
.Ltmp1:
0x12c: {  	_ = 	snop;
	(pc) =	sbr.rel @p0 .LBB2_1-.Ltmp1, $4  }
0x12d: {  	[hbm4b:s6+s2] =	stream.linear.scatter [tilespmem:s20], [sflag:$0x2], $0x1000, $0x38;
	[tilespmem:$0x15500] =	vst v63  }
0x12e: {  	_ =	swait.ge [sflag:s8], $0x1000  }
0x12f: {  	[sflag:s8] =	ssyncset.done $0x0  }
0x130: {  	[sflag:s8] =	ssyncadd.s32 $0xFFFFF000  }
0x131: {  	_ =	sfence.sel $0x180000  }
0x132: {  	[bflag:$0x0] =	sbarrier.arrive $0xFFFF  }
0x133: {  	p0 =	sne.s32 s0, $0x0;
	_ =	strace $0x90000047  }
0x134: {  	s0 =	sadd.s32 @!p0 $0x100000, s1;
	[bflag:$0x2] =	sbarrier.arrive $0xFFFF  }
0x135: {  	[sflag:s0] =	ssyncadd.tile.s32 @!p0 $0x1;
	_ =	shalt  }
.Lfunc_end2:
_tile_overlayer_lowered:
.L_overlay_start_2:
0x136: {  	(tag) =	ssettag $0x2  }
0x137: {  	s0 =	rddreg [dreg:$0x0];
	s2 =	stileid.u32  }
0x138: {  	s1 =	rddreg [dreg:$0x1];
	p0 =	sne.s32 s2, $0x0  }
0x139: {  	s3 =	rddreg [dreg:$0x2];
	[bflag:$0x3] =	sbarrier.arrive $0xFFFF;
	s2 =	simm.s32 @!p0 $0x1C02  }
0x13a: {  	[timem:s3], [sflag:s2] =	dma.local @!p0 [hbm:s0], s1  }
0x13b: {  	s0 =	simm.s32 @!p0 $0x2  }
0x13c: {  	_ =	swait.ge @!p0 [sflag:s0], s1  }
0x13d: {  	s1 =	ssub.s32 @!p0 $0x0, s1;
	[sflag:s0] =	ssyncset.done @!p0 $0x0  }
0x13e: {  	[sflag:s0] =	ssyncadd.s32 @!p0 s1  }
0x13f: {  	[bflag:$0x3] =	sbarrier.arrive $0xFFFF  }
0x140: {  	_ =	shalt  }

</sc_bundles>
